<compile_context>
chip_gen: v7x
topology: tpu7x:2x2x1
jax: 0.10.2.dev20260603
libtpu: 0.0.44.dev20260713+nightly
codegen_flags: <defaults>
</compile_context>

<pallas_src>
import functools

import jax
import jax.numpy as jnp
from jax import lax
from jax.experimental import pallas as pl
from jax.experimental.pallas import tpu as pltpu
from jax.experimental.pallas import tpu_sc as plsc

N = 8192
C = 256
NS = 16


_QKV_R = 512


def _qkv_body(x_ref, wq_ref, bq_ref, wk_ref, bk_ref, wv_ref, bv_ref,
              q_ref, k_ref, v_ref):
    xb = x_ref[...]
    q_ref[...] = jnp.dot(xb, wq_ref[...],
                         preferred_element_type=jnp.float32) + bq_ref[...]
    k_ref[...] = jnp.dot(xb, wk_ref[...],
                         preferred_element_type=jnp.float32) + bk_ref[...]
    v_ref[...] = jnp.dot(xb, wv_ref[...],
                         preferred_element_type=jnp.float32) + bv_ref[...]


def _qkv(x, Wq, bq, Wk, bk, Wv, bv):
    grid = (N // _QKV_R,)
    row_spec = pl.BlockSpec((_QKV_R, C), lambda i: (i, 0))
    w_spec = pl.BlockSpec((C, C), lambda i: (0, 0))
    b_spec = pl.BlockSpec((1, C), lambda i: (0, 0))
    return pl.pallas_call(
        _qkv_body,
        grid=grid,
        in_specs=[row_spec, w_spec, b_spec, w_spec, b_spec, w_spec, b_spec],
        out_specs=[row_spec, row_spec, row_spec],
        out_shape=[jax.ShapeDtypeStruct((N, C), jnp.float32)] * 3,
    )(x, Wq, bq.reshape(1, C), Wk, bk.reshape(1, C), Wv, bv.reshape(1, C))



_KNN_R = 256


def _knn_body(pb_ref, pt_ref, idx_ref):
    pb = pb_ref[...]
    pt = pt_ref[...]
    sqb = jnp.sum(pb * pb, axis=1, keepdims=True)
    sqa = jnp.sum(pt * pt, axis=0, keepdims=True)
    d2 = sqb + sqa - 2.0 * jnp.dot(
        pb, pt, preferred_element_type=jnp.float32)
    iota = lax.broadcasted_iota(jnp.int32, d2.shape, 1)
    iota16 = lax.broadcasted_iota(jnp.int32, (_KNN_R, NS), 1)

    def step(t, carry):
        cur, acc = carry
        m = jnp.min(cur, axis=1, keepdims=True)
        cand = jnp.where(cur == m, iota, jnp.int32(2 ** 30))
        j = jnp.min(cand, axis=1, keepdims=True)
        cur = jnp.where(iota == j, jnp.float32(jnp.inf), cur)
        acc = jnp.where(iota16 == t, j, acc)
        return cur, acc

    _, acc = lax.fori_loop(
        0, NS, step, (d2, jnp.zeros((_KNN_R, NS), jnp.int32)))
    idx_ref[...] = acc


def _knn(p8, pT8):
    grid = (N // _KNN_R,)
    return pl.pallas_call(
        _knn_body,
        grid=grid,
        in_specs=[pl.BlockSpec((_KNN_R, 8), lambda i: (i, 0)),
                  pl.BlockSpec((8, N), lambda i: (0, 0))],
        out_specs=pl.BlockSpec((_KNN_R, NS), lambda i: (i, 0)),
        out_shape=jax.ShapeDtypeStruct((N, NS), jnp.int32),
    )(p8, pT8)



_G_CH = 128
_NW = 32
_B = N * NS
_PER_W = _B // _NW


def _gather_sc(idx_flat, xk, xv, px, py, pz):
    mesh = plsc.VectorSubcoreMesh(core_axis_name="c", subcore_axis_name="s")

    @functools.partial(
        pl.kernel,
        mesh=mesh,
        out_type=[
            jax.ShapeDtypeStruct((_B, C), jnp.float32),
            jax.ShapeDtypeStruct((_B, C), jnp.float32),
            jax.ShapeDtypeStruct((_B,), jnp.float32),
            jax.ShapeDtypeStruct((_B,), jnp.float32),
            jax.ShapeDtypeStruct((_B,), jnp.float32),
        ],
        scratch_types=[
            pltpu.VMEM((_G_CH,), jnp.int32),
            pltpu.VMEM((_G_CH, C), jnp.float32),
            pltpu.VMEM((_G_CH, C), jnp.float32),
            pltpu.VMEM_SHARED((N,), jnp.float32),
            pltpu.VMEM_SHARED((N,), jnp.float32),
            pltpu.VMEM_SHARED((N,), jnp.float32),
            pltpu.VMEM((_G_CH,), jnp.float32),
            pltpu.VMEM((_G_CH,), jnp.float32),
            pltpu.VMEM((_G_CH,), jnp.float32),
            pltpu.SemaphoreType.DMA,
            pltpu.SemaphoreType.DMA,
            pltpu.SemaphoreType.DMA,
            pltpu.SemaphoreType.DMA,
            pltpu.SemaphoreType.DMA,
        ],
    )
    def k(idx_hbm, xk_hbm, xv_hbm, px_hbm, py_hbm, pz_hbm,
          gk_hbm, gv_hbm, prx_hbm, pry_hbm, prz_hbm,
          idx_v, bk, bv, px_v, py_v, pz_v, bx, by, bz,
          s1, s2, s3, s4, s5):
        wid = lax.axis_index("s") * 2 + lax.axis_index("c")

        @pl.when(lax.axis_index("s") == 0)
        def _():
            pltpu.sync_copy(px_hbm, px_v)
            pltpu.sync_copy(py_hbm, py_v)
            pltpu.sync_copy(pz_hbm, pz_v)

        plsc.subcore_barrier()

        def body(ch, carry):
            base = wid * _PER_W + ch * _G_CH
            pltpu.sync_copy(idx_hbm.at[pl.ds(base, _G_CH)], idx_v)
            c1 = pltpu.async_copy(xk_hbm.at[idx_v], bk, s1)
            c2 = pltpu.async_copy(xv_hbm.at[idx_v], bv, s2)
            c3 = pltpu.async_copy(px_v.at[idx_v], bx, s3)
            c4 = pltpu.async_copy(py_v.at[idx_v], by, s4)
            c5 = pltpu.async_copy(pz_v.at[idx_v], bz, s5)
            c1.wait()
            c2.wait()
            c3.wait()
            c4.wait()
            c5.wait()
            pltpu.sync_copy(bk, gk_hbm.at[pl.ds(base, _G_CH)])
            pltpu.sync_copy(bv, gv_hbm.at[pl.ds(base, _G_CH)])
            pltpu.sync_copy(bx, prx_hbm.at[pl.ds(base, _G_CH)])
            pltpu.sync_copy(by, pry_hbm.at[pl.ds(base, _G_CH)])
            pltpu.sync_copy(bz, prz_hbm.at[pl.ds(base, _G_CH)])
            return carry

        lax.fori_loop(0, _PER_W // _G_CH, body, 0)

    return k(idx_flat, xk, xv, px, py, pz)



_ST_R = 1024


def _stats_body(px_ref, py_ref, pz_ref, p_ref, out_ref):
    pc = p_ref[...]
    d0 = px_ref[...] - pc[:, 0:1]
    d1 = py_ref[...] - pc[:, 1:2]
    d2 = pz_ref[...] - pc[:, 2:3]
    vals = [
        jnp.sum(d0), jnp.sum(d1), jnp.sum(d2),
        jnp.sum(d0 * d0), jnp.sum(d0 * d1), jnp.sum(d0 * d2),
        jnp.sum(d1 * d1), jnp.sum(d1 * d2), jnp.sum(d2 * d2),
    ]
    vec = jnp.concatenate(
        [v.reshape(1, 1) for v in vals] + [jnp.zeros((1, 7), jnp.float32)],
        axis=1)

    @pl.when(pl.program_id(0) == 0)
    def _():
        out_ref[...] = jnp.zeros_like(out_ref)

    out_ref[...] += vec


def _stats(prx, pry, prz, p8):
    grid = (N // _ST_R,)
    spec = pl.BlockSpec((_ST_R, NS), lambda i: (i, 0))
    return pl.pallas_call(
        _stats_body,
        grid=grid,
        in_specs=[spec, spec, spec,
                  pl.BlockSpec((_ST_R, 8), lambda i: (i, 0))],
        out_specs=pl.BlockSpec((1, 16), lambda i: (0, 0)),
        out_shape=jax.ShapeDtypeStruct((1, 16), jnp.float32),
    )(prx, pry, prz, p8)



_AT_R = 256


def _attn_body(xq_ref, gk_ref, gv_ref, px_ref, py_ref, pz_ref, p_ref,
               stats_ref, wp1_ref, bp1_ref, gamma_ref, beta_ref, wp2_ref,
               wp2t_ref, out_ref):
    pc = p_ref[...]
    prd = [px_ref[...] - pc[:, 0:1],
           py_ref[...] - pc[:, 1:2],
           pz_ref[...] - pc[:, 2:3]]

    M = float(N * NS)
    s1 = [stats_ref[0, i] for i in range(3)]
    s2 = {(0, 0): stats_ref[0, 3], (0, 1): stats_ref[0, 4],
          (0, 2): stats_ref[0, 5], (1, 1): stats_ref[0, 6],
          (1, 2): stats_ref[0, 7], (2, 2): stats_ref[0, 8]}

    rs = []
    for c in range(3):
        w = [wp1_ref[d, c] for d in range(3)]
        b = bp1_ref[c]
        h = prd[0] * w[0] + prd[1] * w[1] + prd[2] * w[2] + b
        sw = s1[0] * w[0] + s1[1] * w[1] + s1[2] * w[2]
        mean = sw / M + b
        ex2 = (w[0] * w[0] * s2[(0, 0)] + w[1] * w[1] * s2[(1, 1)]
               + w[2] * w[2] * s2[(2, 2)]
               + 2.0 * (w[0] * w[1] * s2[(0, 1)]
                        + w[0] * w[2] * s2[(0, 2)]
                        + w[1] * w[2] * s2[(1, 2)])) / M \
            + 2.0 * b * sw / M + b * b
        var = ex2 - mean * mean
        inv = gamma_ref[c] / jnp.sqrt(var + 1e-5)
        hn = (h - mean) * inv + beta_ref[c]
        rs.append(jnp.maximum(hn, 0.0))

    xq3 = xq_ref[...]
    xq2 = xq3.reshape(_AT_R, C)
    qv = jnp.dot(xq2, wp2t_ref[...],
                 preferred_element_type=jnp.float32)
    attn = jnp.sum(xq3 * gk_ref[...], axis=2)
    attn = attn + qv[:, 3:4]
    for c in range(3):
        attn = attn + rs[c] * qv[:, c:c + 1]
    attn = attn * (1.0 / 16.0)
    attn = attn - jnp.max(attn, axis=1, keepdims=True)
    e = jnp.exp(attn)
    wgt = e / jnp.sum(e, axis=1, keepdims=True)

    wgt3 = wgt.reshape(_AT_R, NS, 1)
    acc = jnp.sum(gv_ref[...] * wgt3, axis=1)
    acc = acc + wp2_ref[3, :].reshape(1, C)
    for c in range(3):
        s3 = jnp.sum(wgt * rs[c], axis=1, keepdims=True)
        acc = acc + s3 * wp2_ref[c, :].reshape(1, C)
    out_ref[...] = acc


def _attention(xq3, gk3, gv3, prx, pry, prz, p8, stats, Wp1, bp1, gamma,
               beta, Wp2b, Wp2t):
    grid = (N // _AT_R,)
    smem = functools.partial(pl.BlockSpec, memory_space=pltpu.SMEM)
    pspec = pl.BlockSpec((_AT_R, NS), lambda i: (i, 0))
    return pl.pallas_call(
        _attn_body,
        grid=grid,
        in_specs=[
            pl.BlockSpec((_AT_R, 1, C), lambda i: (i, 0, 0)),
            pl.BlockSpec((_AT_R, NS, C), lambda i: (i, 0, 0)),
            pl.BlockSpec((_AT_R, NS, C), lambda i: (i, 0, 0)),
            pspec,
            pspec,
            pspec,
            pl.BlockSpec((_AT_R, 8), lambda i: (i, 0)),
            smem(),
            smem(),
            smem(),
            smem(),
            smem(),
            pl.BlockSpec((4, C), lambda i: (0, 0)),
            pl.BlockSpec((C, 128), lambda i: (0, 0)),
        ],
        out_specs=pl.BlockSpec((_AT_R, C), lambda i: (i, 0)),
        out_shape=jax.ShapeDtypeStruct((N, C), jnp.float32),
    )(xq3, gk3, gv3, prx, pry, prz, p8, stats, Wp1, bp1, gamma, beta,
      Wp2b, Wp2t)




def kernel(p, x, o, Wq, bq, Wk, bk, Wv, bv, Wp1, bp1, gamma, beta, Wp2,
           bp2):
    del o
    x_q, x_k, x_v = _qkv(x, Wq, bq, Wk, bk, Wv, bv)

    p8 = jnp.pad(p, ((0, 0), (0, 5)))
    pT8 = p8.T
    idx = _knn(p8, pT8)

    px, py, pz = p[:, 0], p[:, 1], p[:, 2]
    gk, gv, prx, pry, prz = _gather_sc(idx.reshape(_B), x_k, x_v,
                                       px, py, pz)
    prx = prx.reshape(N, NS)
    pry = pry.reshape(N, NS)
    prz = prz.reshape(N, NS)
    stats = _stats(prx, pry, prz, p8)

    Wp2b = jnp.concatenate([Wp2, bp2.reshape(1, C)], axis=0)
    Wp2t = jnp.pad(Wp2b.T, ((0, 0), (0, 124)))
    return _attention(x_q.reshape(N, 1, C), gk.reshape(N, NS, C),
                      gv.reshape(N, NS, C), prx, pry, prz, p8, stats,
                      Wp1, bp1, gamma, beta, Wp2b, Wp2t)

# --- scband reference (transcript-rebuilt; emitter-appended) ---
"""Pipeline reference for scband-point-transformer-layer-scalar-75093208203621 (READ-ONLY COPY).

The authoritative reference and input builder live on the scoring server;
editing this copy changes nothing except your own understanding.
"""

import jax, jax.numpy as jnp
import numpy as np
import math

N = 8192
CIN = 256
COUT = 256
NS = 16

def setup_inputs(seed: int = 0) -> dict:
    key = jax.random.key(seed)
    ks = jax.random.split(key, 8)
    p = jax.random.uniform(ks[0], (N, 3), dtype=jnp.float32) * 10.0
    x = jax.random.normal(ks[1], (N, CIN), dtype=jnp.float32)
    o = jnp.array([N], dtype=jnp.int32)
    s = 1.0 / math.sqrt(CIN)
    Wq = jax.random.normal(ks[2], (CIN, COUT), dtype=jnp.float32) * s
    bq = jnp.zeros((COUT,), dtype=jnp.float32)
    Wk = jax.random.normal(ks[3], (CIN, COUT), dtype=jnp.float32) * s
    bk = jnp.zeros((COUT,), dtype=jnp.float32)
    Wv = jax.random.normal(ks[4], (CIN, COUT), dtype=jnp.float32) * s
    bv = jnp.zeros((COUT,), dtype=jnp.float32)
    s3 = 1.0 / math.sqrt(3.0)
    Wp1 = jax.random.normal(ks[5], (3, 3), dtype=jnp.float32) * s3
    bp1 = jnp.zeros((3,), dtype=jnp.float32)
    gamma = jnp.ones((3,), dtype=jnp.float32)
    beta = jnp.zeros((3,), dtype=jnp.float32)
    Wp2 = jax.random.normal(ks[6], (3, COUT), dtype=jnp.float32) * s3
    bp2 = jnp.zeros((COUT,), dtype=jnp.float32)
    return {"p": p, "x": x, "o": o, "Wq": Wq, "bq": bq, "Wk": Wk, "bk": bk,
            "Wv": Wv, "bv": bv, "Wp1": Wp1, "bp1": bp1, "gamma": gamma,
            "beta": beta, "Wp2": Wp2, "bp2": bp2}

def _knn_idx(p, nsample):
    # squared pairwise distances; single batch segment (o = [N])
    sq = jnp.sum(p * p, axis=1)
    d2 = sq[:, None] + sq[None, :] - 2.0 * (p @ p.T)
    _, idx = jax.lax.top_k(-d2, nsample)  # nearest neighbors (includes self)
    return idx

def _forward(p, x, Wq, bq, Wk, bk, Wv, bv, Wp1, bp1, gamma, beta, Wp2, bp2):
    x_q = x @ Wq + bq
    x_k = x @ Wk + bk
    x_v = x @ Wv + bv
    idx = _knn_idx(p, NS)                       # [N, NS]
    g_k = jnp.take(x_k, idx, axis=0)            # [N, NS, COUT]  (queryandgroup, use_xyz=False)
    g_v = jnp.take(x_v, idx, axis=0)            # [N, NS, COUT]
    p_r = jnp.take(p, idx, axis=0) - p[:, None, :]  # [N, NS, 3] relative coords
    # linear_p: Linear(3,3) -> BatchNorm1d(3) over channel dim -> ReLU -> Linear(3, COUT)
    h = p_r @ Wp1 + bp1
    mean = jnp.mean(h, axis=(0, 1))
    var = jnp.var(h, axis=(0, 1))
    h = gamma * (h - mean) / jnp.sqrt(var + 1e-5) + beta
    h = jax.nn.relu(h)
    pe = h @ Wp2 + bp2                          # [N, NS, COUT]
    g_k = g_k + pe
    g_v = g_v + pe
    attn = jnp.sum(x_q[:, None, :] * g_k, axis=-1, keepdims=True) / math.sqrt(COUT)
    w = jax.nn.softmax(attn, axis=1)
    x_out = jnp.sum(g_v * w, axis=1)            # [N, COUT]
    return x_out

def reference(p, x, o, Wq, bq, Wk, bk, Wv, bv, Wp1, bp1, gamma, beta, Wp2, bp2):
    # o is the batch offset vector [N] -> single segment, kNN over all points
    return _forward(p, x, Wq, bq, Wk, bk, Wv, bv, Wp1, bp1, gamma, beta, Wp2, bp2)

if __name__ == "__main__":
    import jax
    _d = setup_inputs()
    print(jax.jit(kernel)(*tuple(_d.values())))

</pallas_src>

<mosaic_0001>
#map = affine_map<(d0, d1) -> (0)>
#map1 = affine_map<(d0, d1) -> (0, 0)>
module attributes {stable_mosaic.version = 14 : i64} {
  func.func @k(%arg0: i32, %arg1: i32, %arg2: memref<131072xi32, #tpu.memory_space<hbm>>, %arg3: memref<8192x256xf32, #tpu.memory_space<hbm>>, %arg4: memref<8192x256xf32, #tpu.memory_space<hbm>>, %arg5: memref<8192xf32, #tpu.memory_space<hbm>>, %arg6: memref<8192xf32, #tpu.memory_space<hbm>>, %arg7: memref<8192xf32, #tpu.memory_space<hbm>>, %arg8: memref<131072x256xf32, #tpu.memory_space<hbm>>, %arg9: memref<131072x256xf32, #tpu.memory_space<hbm>>, %arg10: memref<131072xf32, #tpu.memory_space<hbm>>, %arg11: memref<131072xf32, #tpu.memory_space<hbm>>, %arg12: memref<131072xf32, #tpu.memory_space<hbm>>, %arg13: memref<128xi32, #tpu.memory_space<vmem>>, %arg14: memref<128x256xf32, #tpu.memory_space<vmem>>, %arg15: memref<128x256xf32, #tpu.memory_space<vmem>>, %arg16: memref<8192xf32, #tpu.memory_space<vmem_shared>>, %arg17: memref<8192xf32, #tpu.memory_space<vmem_shared>>, %arg18: memref<8192xf32, #tpu.memory_space<vmem_shared>>, %arg19: memref<128xf32, #tpu.memory_space<vmem>>, %arg20: memref<128xf32, #tpu.memory_space<vmem>>, %arg21: memref<128xf32, #tpu.memory_space<vmem>>, %arg22: memref<!tpu.dma_semaphore, #tpu.memory_space<semaphore_mem>>, %arg23: memref<!tpu.dma_semaphore, #tpu.memory_space<semaphore_mem>>, %arg24: memref<!tpu.dma_semaphore, #tpu.memory_space<semaphore_mem>>, %arg25: memref<!tpu.dma_semaphore, #tpu.memory_space<semaphore_mem>>, %arg26: memref<!tpu.dma_semaphore, #tpu.memory_space<semaphore_mem>>) attributes {dimension_semantics = [#tpu.dimension_semantics<core_parallel>, #tpu.dimension_semantics<subcore_parallel>], iteration_bounds = array<i64: 2, 16>, scalar_prefetch = 0 : i64, scratch_operands = 14 : i64, tpu.core_type = #tpu.core_type<sc_vector_subcore>, window_params = [{transform_indices = #map}, {transform_indices = #map1}, {transform_indices = #map1}, {transform_indices = #map}, {transform_indices = #map}, {transform_indices = #map}, {transform_indices = #map1}, {transform_indices = #map1}, {transform_indices = #map}, {transform_indices = #map}, {transform_indices = #map}]} {
    %mul3A = arith.constant 2 : i32
    %mul3A_0 = arith.muli %arg1, %mul3A : i32
    %add3A = arith.addi %mul3A_0, %arg0 : i32
    %eq3A = arith.constant 0 : i32
    %eq3A_1 = arith.cmpi eq, %arg1, %eq3A : i32
    %convert_element_type3A = arith.extui %eq3A_1 : i1 to i32
    %cond3A = arith.constant 0 : i32
    %cond3A_2 = arith.cmpi ne, %convert_element_type3A, %cond3A : i32
    scf.if %cond3A_2 {
      "tpu.region"() ({
        %run_scoped3A = tpu.sem_alloc : memref<!tpu.dma_semaphore, #tpu.memory_space<semaphore_mem>>
        tpu.enqueue_dma source(%arg5 : memref<8192xf32, #tpu.memory_space<hbm>>) target(%arg16 : memref<8192xf32, #tpu.memory_space<vmem_shared>>) target_semaphore(%run_scoped3A : memref<!tpu.dma_semaphore, #tpu.memory_space<semaphore_mem>>)
        tpu.wait_dma2 semaphore(%run_scoped3A : memref<!tpu.dma_semaphore, #tpu.memory_space<semaphore_mem>>) src(%arg5 : memref<8192xf32, #tpu.memory_space<hbm>>) dst(%arg16 : memref<8192xf32, #tpu.memory_space<vmem_shared>>)
        tpu.yield
      }) : () -> ()
      "tpu.region"() ({
        %run_scoped3A = tpu.sem_alloc : memref<!tpu.dma_semaphore, #tpu.memory_space<semaphore_mem>>
        tpu.enqueue_dma source(%arg6 : memref<8192xf32, #tpu.memory_space<hbm>>) target(%arg17 : memref<8192xf32, #tpu.memory_space<vmem_shared>>) target_semaphore(%run_scoped3A : memref<!tpu.dma_semaphore, #tpu.memory_space<semaphore_mem>>)
        tpu.wait_dma2 semaphore(%run_scoped3A : memref<!tpu.dma_semaphore, #tpu.memory_space<semaphore_mem>>) src(%arg6 : memref<8192xf32, #tpu.memory_space<hbm>>) dst(%arg17 : memref<8192xf32, #tpu.memory_space<vmem_shared>>)
        tpu.yield
      }) : () -> ()
      "tpu.region"() ({
        %run_scoped3A = tpu.sem_alloc : memref<!tpu.dma_semaphore, #tpu.memory_space<semaphore_mem>>
        tpu.enqueue_dma source(%arg7 : memref<8192xf32, #tpu.memory_space<hbm>>) target(%arg18 : memref<8192xf32, #tpu.memory_space<vmem_shared>>) target_semaphore(%run_scoped3A : memref<!tpu.dma_semaphore, #tpu.memory_space<semaphore_mem>>)
        tpu.wait_dma2 semaphore(%run_scoped3A : memref<!tpu.dma_semaphore, #tpu.memory_space<semaphore_mem>>) src(%arg7 : memref<8192xf32, #tpu.memory_space<hbm>>) dst(%arg18 : memref<8192xf32, #tpu.memory_space<vmem_shared>>)
        tpu.yield
      }) : () -> ()
    } else {
    }
    %barrier3A = arith.constant 0 : index
    tpu.barrier barrier_id(%barrier3A)
    %scan3A = arith.constant 0 : i32
    %scan3A_3 = arith.constant 0 : i32
    %scan3A_4 = arith.constant 32 : i32
    %scan3A_5 = arith.addi %scan3A_3, %scan3A_4 : i32
    %scan3A_6 = arith.constant 1 : i32
    scf.for %scan3A_8 = %scan3A_3 to %scan3A_5 step %scan3A_6  : i32 {
      %mul3A_9 = arith.constant 4096 : i32
      %mul3A_10 = arith.muli %add3A, %mul3A_9 : i32
      %mul3A_11 = arith.constant 128 : i32
      %mul3A_12 = arith.muli %scan3A_8, %mul3A_11 : i32
      %add3A_13 = arith.addi %mul3A_10, %mul3A_12 : i32
      "tpu.region"() ({
        %run_scoped3A = tpu.sem_alloc : memref<!tpu.dma_semaphore, #tpu.memory_space<semaphore_mem>>
        %dma_start3A_36 = tpu.memref_slice %arg2[%add3A_13] : memref<131072xi32, #tpu.memory_space<hbm>> -> memref<128xi32, #tpu.memory_space<hbm>>
        %dma_start3A_37 = tpu.memref_slice %arg2[%add3A_13] : memref<131072xi32, #tpu.memory_space<hbm>> -> memref<128xi32, #tpu.memory_space<hbm>>
        tpu.enqueue_dma source(%dma_start3A_37 : memref<128xi32, #tpu.memory_space<hbm>>) target(%arg13 : memref<128xi32, #tpu.memory_space<vmem>>) target_semaphore(%run_scoped3A : memref<!tpu.dma_semaphore, #tpu.memory_space<semaphore_mem>>)
        %dma_wait3A_38 = tpu.memref_slice %arg2[%add3A_13] : memref<131072xi32, #tpu.memory_space<hbm>> -> memref<128xi32, #tpu.memory_space<hbm>>
        %dma_wait3A_39 = tpu.memref_slice %arg2[%add3A_13] : memref<131072xi32, #tpu.memory_space<hbm>> -> memref<128xi32, #tpu.memory_space<hbm>>
        tpu.wait_dma2 semaphore(%run_scoped3A : memref<!tpu.dma_semaphore, #tpu.memory_space<semaphore_mem>>) src(%dma_wait3A_39 : memref<128xi32, #tpu.memory_space<hbm>>) dst(%arg13 : memref<128xi32, #tpu.memory_space<vmem>>)
        tpu.yield
      }) : () -> ()
      %dma_start3A = arith.constant 0 : i32
      %dma_start3A_14 = arith.constant 0 : i32
      %dma_start3A_15 = tpu.memref_slice %arg3[%dma_start3A, %dma_start3A_14] : memref<8192x256xf32, #tpu.memory_space<hbm>> -> memref<8192x256xf32, #tpu.memory_space<hbm>>
      tpu.enqueue_indirect_dma source(%dma_start3A_15 : memref<8192x256xf32, #tpu.memory_space<hbm>>) target(%arg14 : memref<128x256xf32, #tpu.memory_space<vmem>>) offsets(%arg13 : memref<128xi32, #tpu.memory_space<vmem>>) semaphore(%arg22 : memref<!tpu.dma_semaphore, #tpu.memory_space<semaphore_mem>>)
      %dma_start3A_16 = arith.constant 0 : i32
      %dma_start3A_17 = arith.constant 0 : i32
      %dma_start3A_18 = tpu.memref_slice %arg4[%dma_start3A_16, %dma_start3A_17] : memref<8192x256xf32, #tpu.memory_space<hbm>> -> memref<8192x256xf32, #tpu.memory_space<hbm>>
      tpu.enqueue_indirect_dma source(%dma_start3A_18 : memref<8192x256xf32, #tpu.memory_space<hbm>>) target(%arg15 : memref<128x256xf32, #tpu.memory_space<vmem>>) offsets(%arg13 : memref<128xi32, #tpu.memory_space<vmem>>) semaphore(%arg23 : memref<!tpu.dma_semaphore, #tpu.memory_space<semaphore_mem>>)
      %dma_start3A_19 = arith.constant 0 : i32
      %dma_start3A_20 = tpu.memref_slice %arg16[%dma_start3A_19] : memref<8192xf32, #tpu.memory_space<vmem_shared>> -> memref<8192xf32, #tpu.memory_space<vmem_shared>>
      tpu.enqueue_indirect_dma source(%dma_start3A_20 : memref<8192xf32, #tpu.memory_space<vmem_shared>>) target(%arg19 : memref<128xf32, #tpu.memory_space<vmem>>) offsets(%arg13 : memref<128xi32, #tpu.memory_space<vmem>>) semaphore(%arg24 : memref<!tpu.dma_semaphore, #tpu.memory_space<semaphore_mem>>)
      %dma_start3A_21 = arith.constant 0 : i32
      %dma_start3A_22 = tpu.memref_slice %arg17[%dma_start3A_21] : memref<8192xf32, #tpu.memory_space<vmem_shared>> -> memref<8192xf32, #tpu.memory_space<vmem_shared>>
      tpu.enqueue_indirect_dma source(%dma_start3A_22 : memref<8192xf32, #tpu.memory_space<vmem_shared>>) target(%arg20 : memref<128xf32, #tpu.memory_space<vmem>>) offsets(%arg13 : memref<128xi32, #tpu.memory_space<vmem>>) semaphore(%arg25 : memref<!tpu.dma_semaphore, #tpu.memory_space<semaphore_mem>>)
      %dma_start3A_23 = arith.constant 0 : i32
      %dma_start3A_24 = tpu.memref_slice %arg18[%dma_start3A_23] : memref<8192xf32, #tpu.memory_space<vmem_shared>> -> memref<8192xf32, #tpu.memory_space<vmem_shared>>
      tpu.enqueue_indirect_dma source(%dma_start3A_24 : memref<8192xf32, #tpu.memory_space<vmem_shared>>) target(%arg21 : memref<128xf32, #tpu.memory_space<vmem>>) offsets(%arg13 : memref<128xi32, #tpu.memory_space<vmem>>) semaphore(%arg26 : memref<!tpu.dma_semaphore, #tpu.memory_space<semaphore_mem>>)
      %dma_wait3A = arith.constant 0 : i32
      %dma_wait3A_25 = arith.constant 0 : i32
      %dma_wait3A_26 = tpu.memref_slice %arg3[%dma_wait3A, %dma_wait3A_25] : memref<8192x256xf32, #tpu.memory_space<hbm>> -> memref<8192x256xf32, #tpu.memory_space<hbm>>
      tpu.wait_indirect_dma semaphore(%arg22 : memref<!tpu.dma_semaphore, #tpu.memory_space<semaphore_mem>>) src(%dma_wait3A_26 : memref<8192x256xf32, #tpu.memory_space<hbm>>) dst(%arg14 : memref<128x256xf32, #tpu.memory_space<vmem>>)
      %dma_wait3A_27 = arith.constant 0 : i32
      %dma_wait3A_28 = arith.constant 0 : i32
      %dma_wait3A_29 = tpu.memref_slice %arg4[%dma_wait3A_27, %dma_wait3A_28] : memref<8192x256xf32, #tpu.memory_space<hbm>> -> memref<8192x256xf32, #tpu.memory_space<hbm>>
      tpu.wait_indirect_dma semaphore(%arg23 : memref<!tpu.dma_semaphore, #tpu.memory_space<semaphore_mem>>) src(%dma_wait3A_29 : memref<8192x256xf32, #tpu.memory_space<hbm>>) dst(%arg15 : memref<128x256xf32, #tpu.memory_space<vmem>>)
      %dma_wait3A_30 = arith.constant 0 : i32
      %dma_wait3A_31 = tpu.memref_slice %arg16[%dma_wait3A_30] : memref<8192xf32, #tpu.memory_space<vmem_shared>> -> memref<8192xf32, #tpu.memory_space<vmem_shared>>
      tpu.wait_indirect_dma semaphore(%arg24 : memref<!tpu.dma_semaphore, #tpu.memory_space<semaphore_mem>>) src(%dma_wait3A_31 : memref<8192xf32, #tpu.memory_space<vmem_shared>>) dst(%arg19 : memref<128xf32, #tpu.memory_space<vmem>>)
      %dma_wait3A_32 = arith.constant 0 : i32
      %dma_wait3A_33 = tpu.memref_slice %arg17[%dma_wait3A_32] : memref<8192xf32, #tpu.memory_space<vmem_shared>> -> memref<8192xf32, #tpu.memory_space<vmem_shared>>
      tpu.wait_indirect_dma semaphore(%arg25 : memref<!tpu.dma_semaphore, #tpu.memory_space<semaphore_mem>>) src(%dma_wait3A_33 : memref<8192xf32, #tpu.memory_space<vmem_shared>>) dst(%arg20 : memref<128xf32, #tpu.memory_space<vmem>>)
      %dma_wait3A_34 = arith.constant 0 : i32
      %dma_wait3A_35 = tpu.memref_slice %arg18[%dma_wait3A_34] : memref<8192xf32, #tpu.memory_space<vmem_shared>> -> memref<8192xf32, #tpu.memory_space<vmem_shared>>
      tpu.wait_indirect_dma semaphore(%arg26 : memref<!tpu.dma_semaphore, #tpu.memory_space<semaphore_mem>>) src(%dma_wait3A_35 : memref<8192xf32, #tpu.memory_space<vmem_shared>>) dst(%arg21 : memref<128xf32, #tpu.memory_space<vmem>>)
      "tpu.region"() ({
        %run_scoped3A = tpu.sem_alloc : memref<!tpu.dma_semaphore, #tpu.memory_space<semaphore_mem>>
        %dma_start3A_36 = arith.constant 0 : i32
        %dma_start3A_37 = tpu.memref_slice %arg8[%add3A_13, %dma_start3A_36] : memref<131072x256xf32, #tpu.memory_space<hbm>> -> memref<128x256xf32, #tpu.memory_space<hbm>>
        %dma_start3A_38 = arith.constant 0 : i32
        %dma_start3A_39 = tpu.memref_slice %arg8[%add3A_13, %dma_start3A_38] : memref<131072x256xf32, #tpu.memory_space<hbm>> -> memref<128x256xf32, #tpu.memory_space<hbm>>
        tpu.enqueue_dma source(%arg14 : memref<128x256xf32, #tpu.memory_space<vmem>>) target(%dma_start3A_39 : memref<128x256xf32, #tpu.memory_space<hbm>>) target_semaphore(%run_scoped3A : memref<!tpu.dma_semaphore, #tpu.memory_space<semaphore_mem>>)
        %dma_wait3A_40 = arith.constant 0 : i32
        %dma_wait3A_41 = tpu.memref_slice %arg8[%add3A_13, %dma_wait3A_40] : memref<131072x256xf32, #tpu.memory_space<hbm>> -> memref<128x256xf32, #tpu.memory_space<hbm>>
        %dma_wait3A_42 = arith.constant 0 : i32
        %dma_wait3A_43 = tpu.memref_slice %arg8[%add3A_13, %dma_wait3A_42] : memref<131072x256xf32, #tpu.memory_space<hbm>> -> memref<128x256xf32, #tpu.memory_space<hbm>>
        tpu.wait_dma2 semaphore(%run_scoped3A : memref<!tpu.dma_semaphore, #tpu.memory_space<semaphore_mem>>) src(%arg14 : memref<128x256xf32, #tpu.memory_space<vmem>>) dst(%dma_wait3A_43 : memref<128x256xf32, #tpu.memory_space<hbm>>)
        tpu.yield
      }) : () -> ()
      "tpu.region"() ({
        %run_scoped3A = tpu.sem_alloc : memref<!tpu.dma_semaphore, #tpu.memory_space<semaphore_mem>>
        %dma_start3A_36 = arith.constant 0 : i32
        %dma_start3A_37 = tpu.memref_slice %arg9[%add3A_13, %dma_start3A_36] : memref<131072x256xf32, #tpu.memory_space<hbm>> -> memref<128x256xf32, #tpu.memory_space<hbm>>
        %dma_start3A_38 = arith.constant 0 : i32
        %dma_start3A_39 = tpu.memref_slice %arg9[%add3A_13, %dma_start3A_38] : memref<131072x256xf32, #tpu.memory_space<hbm>> -> memref<128x256xf32, #tpu.memory_space<hbm>>
        tpu.enqueue_dma source(%arg15 : memref<128x256xf32, #tpu.memory_space<vmem>>) target(%dma_start3A_39 : memref<128x256xf32, #tpu.memory_space<hbm>>) target_semaphore(%run_scoped3A : memref<!tpu.dma_semaphore, #tpu.memory_space<semaphore_mem>>)
        %dma_wait3A_40 = arith.constant 0 : i32
        %dma_wait3A_41 = tpu.memref_slice %arg9[%add3A_13, %dma_wait3A_40] : memref<131072x256xf32, #tpu.memory_space<hbm>> -> memref<128x256xf32, #tpu.memory_space<hbm>>
        %dma_wait3A_42 = arith.constant 0 : i32
        %dma_wait3A_43 = tpu.memref_slice %arg9[%add3A_13, %dma_wait3A_42] : memref<131072x256xf32, #tpu.memory_space<hbm>> -> memref<128x256xf32, #tpu.memory_space<hbm>>
        tpu.wait_dma2 semaphore(%run_scoped3A : memref<!tpu.dma_semaphore, #tpu.memory_space<semaphore_mem>>) src(%arg15 : memref<128x256xf32, #tpu.memory_space<vmem>>) dst(%dma_wait3A_43 : memref<128x256xf32, #tpu.memory_space<hbm>>)
        tpu.yield
      }) : () -> ()
      "tpu.region"() ({
        %run_scoped3A = tpu.sem_alloc : memref<!tpu.dma_semaphore, #tpu.memory_space<semaphore_mem>>
        %dma_start3A_36 = tpu.memref_slice %arg10[%add3A_13] : memref<131072xf32, #tpu.memory_space<hbm>> -> memref<128xf32, #tpu.memory_space<hbm>>
        %dma_start3A_37 = tpu.memref_slice %arg10[%add3A_13] : memref<131072xf32, #tpu.memory_space<hbm>> -> memref<128xf32, #tpu.memory_space<hbm>>
        tpu.enqueue_dma source(%arg19 : memref<128xf32, #tpu.memory_space<vmem>>) target(%dma_start3A_37 : memref<128xf32, #tpu.memory_space<hbm>>) target_semaphore(%run_scoped3A : memref<!tpu.dma_semaphore, #tpu.memory_space<semaphore_mem>>)
        %dma_wait3A_38 = tpu.memref_slice %arg10[%add3A_13] : memref<131072xf32, #tpu.memory_space<hbm>> -> memref<128xf32, #tpu.memory_space<hbm>>
        %dma_wait3A_39 = tpu.memref_slice %arg10[%add3A_13] : memref<131072xf32, #tpu.memory_space<hbm>> -> memref<128xf32, #tpu.memory_space<hbm>>
        tpu.wait_dma2 semaphore(%run_scoped3A : memref<!tpu.dma_semaphore, #tpu.memory_space<semaphore_mem>>) src(%arg19 : memref<128xf32, #tpu.memory_space<vmem>>) dst(%dma_wait3A_39 : memref<128xf32, #tpu.memory_space<hbm>>)
        tpu.yield
      }) : () -> ()
      "tpu.region"() ({
        %run_scoped3A = tpu.sem_alloc : memref<!tpu.dma_semaphore, #tpu.memory_space<semaphore_mem>>
        %dma_start3A_36 = tpu.memref_slice %arg11[%add3A_13] : memref<131072xf32, #tpu.memory_space<hbm>> -> memref<128xf32, #tpu.memory_space<hbm>>
        %dma_start3A_37 = tpu.memref_slice %arg11[%add3A_13] : memref<131072xf32, #tpu.memory_space<hbm>> -> memref<128xf32, #tpu.memory_space<hbm>>
        tpu.enqueue_dma source(%arg20 : memref<128xf32, #tpu.memory_space<vmem>>) target(%dma_start3A_37 : memref<128xf32, #tpu.memory_space<hbm>>) target_semaphore(%run_scoped3A : memref<!tpu.dma_semaphore, #tpu.memory_space<semaphore_mem>>)
        %dma_wait3A_38 = tpu.memref_slice %arg11[%add3A_13] : memref<131072xf32, #tpu.memory_space<hbm>> -> memref<128xf32, #tpu.memory_space<hbm>>
        %dma_wait3A_39 = tpu.memref_slice %arg11[%add3A_13] : memref<131072xf32, #tpu.memory_space<hbm>> -> memref<128xf32, #tpu.memory_space<hbm>>
        tpu.wait_dma2 semaphore(%run_scoped3A : memref<!tpu.dma_semaphore, #tpu.memory_space<semaphore_mem>>) src(%arg20 : memref<128xf32, #tpu.memory_space<vmem>>) dst(%dma_wait3A_39 : memref<128xf32, #tpu.memory_space<hbm>>)
        tpu.yield
      }) : () -> ()
      "tpu.region"() ({
        %run_scoped3A = tpu.sem_alloc : memref<!tpu.dma_semaphore, #tpu.memory_space<semaphore_mem>>
        %dma_start3A_36 = tpu.memref_slice %arg12[%add3A_13] : memref<131072xf32, #tpu.memory_space<hbm>> -> memref<128xf32, #tpu.memory_space<hbm>>
        %dma_start3A_37 = tpu.memref_slice %arg12[%add3A_13] : memref<131072xf32, #tpu.memory_space<hbm>> -> memref<128xf32, #tpu.memory_space<hbm>>
        tpu.enqueue_dma source(%arg21 : memref<128xf32, #tpu.memory_space<vmem>>) target(%dma_start3A_37 : memref<128xf32, #tpu.memory_space<hbm>>) target_semaphore(%run_scoped3A : memref<!tpu.dma_semaphore, #tpu.memory_space<semaphore_mem>>)
        %dma_wait3A_38 = tpu.memref_slice %arg12[%add3A_13] : memref<131072xf32, #tpu.memory_space<hbm>> -> memref<128xf32, #tpu.memory_space<hbm>>
        %dma_wait3A_39 = tpu.memref_slice %arg12[%add3A_13] : memref<131072xf32, #tpu.memory_space<hbm>> -> memref<128xf32, #tpu.memory_space<hbm>>
        tpu.wait_dma2 semaphore(%run_scoped3A : memref<!tpu.dma_semaphore, #tpu.memory_space<semaphore_mem>>) src(%arg21 : memref<128xf32, #tpu.memory_space<vmem>>) dst(%dma_wait3A_39 : memref<128xf32, #tpu.memory_space<hbm>>)
        tpu.yield
      }) : () -> ()
    }
    %scan3A_7 = arith.constant 32 : i32
    return
  }
}

module attributes {stable_mosaic.version = 14 : i64} {
  func.func @_knn_body(%arg0: i32, %arg1: memref<256x8xf32, #tpu.memory_space<vmem>>, %arg2: memref<8x8192xf32, #tpu.memory_space<vmem>>, %arg3: memref<256x16xi32, #tpu.memory_space<vmem>>) attributes {dimension_semantics = [#tpu.dimension_semantics<arbitrary>], iteration_bounds = array<i64: 32>, scalar_prefetch = 0 : i64, scratch_operands = 0 : i64, tpu.core_type = #tpu.core_type<tc>, window_params = [{transform_indices = @transform_0, window_bounds = array<i64: 256, 8>}, {pipeline_mode = #tpu.pipeline_mode<synchronous>, transform_indices = @transform_1, window_bounds = array<i64: 8, 8192>}, {transform_indices = @transform_2, window_bounds = array<i64: 256, 16>}]} {
    %get3A = arith.constant 0 : index
    %get3A_0 = arith.constant 0 : index
    %get3A_1 = vector.load %arg1[%get3A, %get3A_0] : memref<256x8xf32, #tpu.memory_space<vmem>>, vector<256x8xf32>
    %get3A_2 = arith.constant 0 : index
    %get3A_3 = arith.constant 0 : index
    %get3A_4 = vector.load %arg2[%get3A_2, %get3A_3] : memref<8x8192xf32, #tpu.memory_space<vmem>>, vector<8x8192xf32>
    %mul3A = arith.mulf %get3A_1, %get3A_1 : vector<256x8xf32>
    %reduce_sum3A = arith.constant dense<0.000000e+00> : vector<256xf32>
    %reduce_sum3A_5 = vector.multi_reduction <add>, %mul3A, %reduce_sum3A [1] : vector<256x8xf32> to vector<256xf32>
    %broadcast_in_dim3A = vector.shape_cast %reduce_sum3A_5 : vector<256xf32> to vector<256x1xf32>
    %mul3A_6 = arith.mulf %get3A_4, %get3A_4 : vector<8x8192xf32>
    %reduce_sum3A_7 = arith.constant dense<0.000000e+00> : vector<8192xf32>
    %reduce_sum3A_8 = vector.multi_reduction <add>, %mul3A_6, %reduce_sum3A_7 [0] : vector<8x8192xf32> to vector<8192xf32>
    %broadcast_in_dim3A_9 = vector.shape_cast %reduce_sum3A_8 : vector<8192xf32> to vector<1x8192xf32>
    %add3A = vector.broadcast %broadcast_in_dim3A : vector<256x1xf32> to vector<256x8192xf32>
    %add3A_10 = vector.broadcast %broadcast_in_dim3A_9 : vector<1x8192xf32> to vector<256x8192xf32>
    %add3A_11 = arith.addf %add3A, %add3A_10 : vector<256x8192xf32>
    %dot_general3A = arith.constant dense<0.000000e+00> : vector<256x8192xf32>
    %dot_general3A_12 = tpu.matmul %get3A_1, %get3A_4, %dot_general3A {dimension_numbers = #tpu.dot_dimension_numbers<[1], [0], [0], [1], [0, 0, 1, 1], [], []>, transpose_lhs_hint = false} : vector<256x8xf32>, vector<8x8192xf32>, vector<256x8192xf32> -> vector<256x8192xf32>
    %mul3A_13 = arith.constant 2.000000e+00 : f32
    %mul3A_14 = vector.broadcast %mul3A_13 : f32 to vector<256x8192xf32>
    %mul3A_15 = arith.mulf %mul3A_14, %dot_general3A_12 : vector<256x8192xf32>
    %sub3A = arith.subf %add3A_11, %mul3A_15 : vector<256x8192xf32>
    %iota3A = tpu.iota {dimensions = array<i32: 1>} : vector<256x8192xi32>
    %iota3A_16 = tpu.iota {dimensions = array<i32: 1>} : vector<256x16xi32>
    %broadcast_in_dim3A_17 = arith.constant 0 : i32
    %broadcast_in_dim3A_18 = vector.broadcast %broadcast_in_dim3A_17 : i32 to vector<256x16xi32>
    %scan3A = arith.constant 0 : i32
    %scan3A_19 = arith.constant 16 : i32
    %scan3A_20 = arith.addi %scan3A, %scan3A_19 : i32
    %scan3A_21 = arith.constant 1 : i32
    %scan3A_22:2 = scf.for %scan3A_26 = %scan3A to %scan3A_20 step %scan3A_21 iter_args(%scan3A_27 = %sub3A, %scan3A_28 = %broadcast_in_dim3A_18) -> (vector<256x8192xf32>, vector<256x16xi32>)  : i32 {
      %reduce_min3A = arith.constant dense<0x7F800000> : vector<256xf32>
      %reduce_min3A_29 = vector.multi_reduction <minimumf>, %scan3A_27, %reduce_min3A [1] : vector<256x8192xf32> to vector<256xf32>
      %broadcast_in_dim3A_30 = vector.shape_cast %reduce_min3A_29 : vector<256xf32> to vector<256x1xf32>
      %eq3A = vector.broadcast %broadcast_in_dim3A_30 : vector<256x1xf32> to vector<256x8192xf32>
      %eq3A_31 = arith.cmpf oeq, %scan3A_27, %eq3A : vector<256x8192xf32>
      %jit3A = arith.constant 1073741824 : i32
      %broadcast_in_dim3A_32 = vector.broadcast %jit3A : i32 to vector<256x8192xi32>
      %select_n3A = arith.select %eq3A_31, %iota3A, %broadcast_in_dim3A_32 : vector<256x8192xi1>, vector<256x8192xi32>
      %reduce_min3A_33 = arith.constant dense<2147483647> : vector<256xi32>
      %reduce_min3A_34 = vector.multi_reduction <minsi>, %select_n3A, %reduce_min3A_33 [1] : vector<256x8192xi32> to vector<256xi32>
      %broadcast_in_dim3A_35 = vector.shape_cast %reduce_min3A_34 : vector<256xi32> to vector<256x1xi32>
      %eq3A_36 = vector.broadcast %broadcast_in_dim3A_35 : vector<256x1xi32> to vector<256x8192xi32>
      %eq3A_37 = arith.cmpi eq, %iota3A, %eq3A_36 : vector<256x8192xi32>
      %jit3A_38 = arith.constant 0x7F800000 : f32
      %broadcast_in_dim3A_39 = vector.broadcast %jit3A_38 : f32 to vector<256x8192xf32>
      %select_n3A_40 = arith.select %eq3A_37, %broadcast_in_dim3A_39, %scan3A_27 : vector<256x8192xi1>, vector<256x8192xf32>
      %eq3A_41 = vector.broadcast %scan3A_26 : i32 to vector<256x16xi32>
      %eq3A_42 = arith.cmpi eq, %iota3A_16, %eq3A_41 : vector<256x16xi32>
      %broadcast_in_dim3A_43 = vector.shape_cast %broadcast_in_dim3A_35 : vector<256x1xi32> to vector<256x1xi32>
      %broadcast_in_dim3A_44 = vector.broadcast %broadcast_in_dim3A_43 : vector<256x1xi32> to vector<256x16xi32>
      %select_n3A_45 = arith.select %eq3A_42, %broadcast_in_dim3A_44, %scan3A_28 : vector<256x16xi1>, vector<256x16xi32>
      scf.yield %select_n3A_40, %select_n3A_45 : vector<256x8192xf32>, vector<256x16xi32>
    }
    %scan3A_23 = arith.constant 16 : i32
    %swap3A = arith.constant 0 : index
    %swap3A_24 = arith.constant 0 : index
    %swap3A_25 = vector.load %arg3[%swap3A, %swap3A_24] : memref<256x16xi32, #tpu.memory_space<vmem>>, vector<256x16xi32>
    tpu.vector_store %arg3[%swap3A, %swap3A_24], %scan3A_22#1 {strides = array<i32>} : memref<256x16xi32, #tpu.memory_space<vmem>>, vector<256x16xi32>,
    return
  }
  func.func @transform_0(%arg0: i32) -> (i32, i32) {
    %c0_i32 = arith.constant 0 : i32
    %c0_i32_0 = arith.constant 0 : i32
    return %arg0, %c0_i32 : i32, i32
  }
  func.func @transform_1(%arg0: i32) -> (i32, i32) {
    %c0_i32 = arith.constant 0 : i32
    %c0_i32_0 = arith.constant 0 : i32
    %c0_i32_1 = arith.constant 0 : i32
    return %c0_i32, %c0_i32_0 : i32, i32
  }
  func.func @transform_2(%arg0: i32) -> (i32, i32) {
    %c0_i32 = arith.constant 0 : i32
    %c0_i32_0 = arith.constant 0 : i32
    return %arg0, %c0_i32 : i32, i32
  }
}

module attributes {stable_mosaic.version = 14 : i64} {
  func.func @_qkv_body(%arg0: i32, %arg1: memref<512x256xf32, #tpu.memory_space<vmem>>, %arg2: memref<256x256xf32, #tpu.memory_space<vmem>>, %arg3: memref<1x256xf32, #tpu.memory_space<vmem>>, %arg4: memref<256x256xf32, #tpu.memory_space<vmem>>, %arg5: memref<1x256xf32, #tpu.memory_space<vmem>>, %arg6: memref<256x256xf32, #tpu.memory_space<vmem>>, %arg7: memref<1x256xf32, #tpu.memory_space<vmem>>, %arg8: memref<512x256xf32, #tpu.memory_space<vmem>>, %arg9: memref<512x256xf32, #tpu.memory_space<vmem>>, %arg10: memref<512x256xf32, #tpu.memory_space<vmem>>) attributes {dimension_semantics = [#tpu.dimension_semantics<arbitrary>], iteration_bounds = array<i64: 16>, scalar_prefetch = 0 : i64, scratch_operands = 0 : i64, tpu.core_type = #tpu.core_type<tc>, window_params = [{transform_indices = @transform_0, window_bounds = array<i64: 512, 256>}, {pipeline_mode = #tpu.pipeline_mode<synchronous>, transform_indices = @transform_1, window_bounds = array<i64: 256, 256>}, {pipeline_mode = #tpu.pipeline_mode<synchronous>, transform_indices = @transform_2, window_bounds = array<i64: 1, 256>}, {pipeline_mode = #tpu.pipeline_mode<synchronous>, transform_indices = @transform_3, window_bounds = array<i64: 256, 256>}, {pipeline_mode = #tpu.pipeline_mode<synchronous>, transform_indices = @transform_4, window_bounds = array<i64: 1, 256>}, {pipeline_mode = #tpu.pipeline_mode<synchronous>, transform_indices = @transform_5, window_bounds = array<i64: 256, 256>}, {pipeline_mode = #tpu.pipeline_mode<synchronous>, transform_indices = @transform_6, window_bounds = array<i64: 1, 256>}, {transform_indices = @transform_7, window_bounds = array<i64: 512, 256>}, {transform_indices = @transform_8, window_bounds = array<i64: 512, 256>}, {transform_indices = @transform_9, window_bounds = array<i64: 512, 256>}]} {
    %get3A = arith.constant 0 : index
    %get3A_0 = arith.constant 0 : index
    %get3A_1 = vector.load %arg1[%get3A, %get3A_0] : memref<512x256xf32, #tpu.memory_space<vmem>>, vector<512x256xf32>
    %get3A_2 = arith.constant 0 : index
    %get3A_3 = arith.constant 0 : index
    %get3A_4 = vector.load %arg2[%get3A_2, %get3A_3] : memref<256x256xf32, #tpu.memory_space<vmem>>, vector<256x256xf32>
    %dot_general3A = arith.constant dense<0.000000e+00> : vector<512x256xf32>
    %dot_general3A_5 = tpu.matmul %get3A_1, %get3A_4, %dot_general3A {dimension_numbers = #tpu.dot_dimension_numbers<[1], [0], [0], [1], [0, 0, 1, 1], [], []>, transpose_lhs_hint = false} : vector<512x256xf32>, vector<256x256xf32>, vector<512x256xf32> -> vector<512x256xf32>
    %get3A_6 = arith.constant 0 : index
    %get3A_7 = arith.constant 0 : index
    %get3A_8 = vector.load %arg3[%get3A_6, %get3A_7] : memref<1x256xf32, #tpu.memory_space<vmem>>, vector<1x256xf32>
    %add3A = vector.broadcast %get3A_8 : vector<1x256xf32> to vector<512x256xf32>
    %add3A_9 = arith.addf %dot_general3A_5, %add3A : vector<512x256xf32>
    %swap3A = arith.constant 0 : index
    %swap3A_10 = arith.constant 0 : index
    %swap3A_11 = vector.load %arg8[%swap3A, %swap3A_10] : memref<512x256xf32, #tpu.memory_space<vmem>>, vector<512x256xf32>
    tpu.vector_store %arg8[%swap3A, %swap3A_10], %add3A_9 {strides = array<i32>} : memref<512x256xf32, #tpu.memory_space<vmem>>, vector<512x256xf32>,
    %get3A_12 = arith.constant 0 : index
    %get3A_13 = arith.constant 0 : index
    %get3A_14 = vector.load %arg4[%get3A_12, %get3A_13] : memref<256x256xf32, #tpu.memory_space<vmem>>, vector<256x256xf32>
    %dot_general3A_15 = arith.constant dense<0.000000e+00> : vector<512x256xf32>
    %dot_general3A_16 = tpu.matmul %get3A_1, %get3A_14, %dot_general3A_15 {dimension_numbers = #tpu.dot_dimension_numbers<[1], [0], [0], [1], [0, 0, 1, 1], [], []>, transpose_lhs_hint = false} : vector<512x256xf32>, vector<256x256xf32>, vector<512x256xf32> -> vector<512x256xf32>
    %get3A_17 = arith.constant 0 : index
    %get3A_18 = arith.constant 0 : index
    %get3A_19 = vector.load %arg5[%get3A_17, %get3A_18] : memref<1x256xf32, #tpu.memory_space<vmem>>, vector<1x256xf32>
    %add3A_20 = vector.broadcast %get3A_19 : vector<1x256xf32> to vector<512x256xf32>
    %add3A_21 = arith.addf %dot_general3A_16, %add3A_20 : vector<512x256xf32>
    %swap3A_22 = arith.constant 0 : index
    %swap3A_23 = arith.constant 0 : index
    %swap3A_24 = vector.load %arg9[%swap3A_22, %swap3A_23] : memref<512x256xf32, #tpu.memory_space<vmem>>, vector<512x256xf32>
    tpu.vector_store %arg9[%swap3A_22, %swap3A_23], %add3A_21 {strides = array<i32>} : memref<512x256xf32, #tpu.memory_space<vmem>>, vector<512x256xf32>,
    %get3A_25 = arith.constant 0 : index
    %get3A_26 = arith.constant 0 : index
    %get3A_27 = vector.load %arg6[%get3A_25, %get3A_26] : memref<256x256xf32, #tpu.memory_space<vmem>>, vector<256x256xf32>
    %dot_general3A_28 = arith.constant dense<0.000000e+00> : vector<512x256xf32>
    %dot_general3A_29 = tpu.matmul %get3A_1, %get3A_27, %dot_general3A_28 {dimension_numbers = #tpu.dot_dimension_numbers<[1], [0], [0], [1], [0, 0, 1, 1], [], []>, transpose_lhs_hint = false} : vector<512x256xf32>, vector<256x256xf32>, vector<512x256xf32> -> vector<512x256xf32>
    %get3A_30 = arith.constant 0 : index
    %get3A_31 = arith.constant 0 : index
    %get3A_32 = vector.load %arg7[%get3A_30, %get3A_31] : memref<1x256xf32, #tpu.memory_space<vmem>>, vector<1x256xf32>
    %add3A_33 = vector.broadcast %get3A_32 : vector<1x256xf32> to vector<512x256xf32>
    %add3A_34 = arith.addf %dot_general3A_29, %add3A_33 : vector<512x256xf32>
    %swap3A_35 = arith.constant 0 : index
    %swap3A_36 = arith.constant 0 : index
    %swap3A_37 = vector.load %arg10[%swap3A_35, %swap3A_36] : memref<512x256xf32, #tpu.memory_space<vmem>>, vector<512x256xf32>
    tpu.vector_store %arg10[%swap3A_35, %swap3A_36], %add3A_34 {strides = array<i32>} : memref<512x256xf32, #tpu.memory_space<vmem>>, vector<512x256xf32>,
    return
  }
  func.func @transform_0(%arg0: i32) -> (i32, i32) {
    %c0_i32 = arith.constant 0 : i32
    %c0_i32_0 = arith.constant 0 : i32
    return %arg0, %c0_i32 : i32, i32
  }
  func.func @transform_1(%arg0: i32) -> (i32, i32) {
    %c0_i32 = arith.constant 0 : i32
    %c0_i32_0 = arith.constant 0 : i32
    %c0_i32_1 = arith.constant 0 : i32
    return %c0_i32, %c0_i32_0 : i32, i32
  }
  func.func @transform_2(%arg0: i32) -> (i32, i32) {
    %c0_i32 = arith.constant 0 : i32
    %c0_i32_0 = arith.constant 0 : i32
    %c0_i32_1 = arith.constant 0 : i32
    return %c0_i32, %c0_i32_0 : i32, i32
  }
  func.func @transform_3(%arg0: i32) -> (i32, i32) {
    %c0_i32 = arith.constant 0 : i32
    %c0_i32_0 = arith.constant 0 : i32
    %c0_i32_1 = arith.constant 0 : i32
    return %c0_i32, %c0_i32_0 : i32, i32
  }
  func.func @transform_4(%arg0: i32) -> (i32, i32) {
    %c0_i32 = arith.constant 0 : i32
    %c0_i32_0 = arith.constant 0 : i32
    %c0_i32_1 = arith.constant 0 : i32
    return %c0_i32, %c0_i32_0 : i32, i32
  }
  func.func @transform_5(%arg0: i32) -> (i32, i32) {
    %c0_i32 = arith.constant 0 : i32
    %c0_i32_0 = arith.constant 0 : i32
    %c0_i32_1 = arith.constant 0 : i32
    return %c0_i32, %c0_i32_0 : i32, i32
  }
  func.func @transform_6(%arg0: i32) -> (i32, i32) {
    %c0_i32 = arith.constant 0 : i32
    %c0_i32_0 = arith.constant 0 : i32
    %c0_i32_1 = arith.constant 0 : i32
    return %c0_i32, %c0_i32_0 : i32, i32
  }
  func.func @transform_7(%arg0: i32) -> (i32, i32) {
    %c0_i32 = arith.constant 0 : i32
    %c0_i32_0 = arith.constant 0 : i32
    return %arg0, %c0_i32 : i32, i32
  }
  func.func @transform_8(%arg0: i32) -> (i32, i32) {
    %c0_i32 = arith.constant 0 : i32
    %c0_i32_0 = arith.constant 0 : i32
    return %arg0, %c0_i32 : i32, i32
  }
  func.func @transform_9(%arg0: i32) -> (i32, i32) {
    %c0_i32 = arith.constant 0 : i32
    %c0_i32_0 = arith.constant 0 : i32
    return %arg0, %c0_i32 : i32, i32
  }
}

module attributes {stable_mosaic.version = 14 : i64} {
  func.func @_stats_body(%arg0: i32, %arg1: memref<1024x16xf32, #tpu.memory_space<vmem>>, %arg2: memref<1024x16xf32, #tpu.memory_space<vmem>>, %arg3: memref<1024x16xf32, #tpu.memory_space<vmem>>, %arg4: memref<1024x8xf32, #tpu.memory_space<vmem>>, %arg5: memref<1x16xf32, #tpu.memory_space<vmem>>) attributes {dimension_semantics = [#tpu.dimension_semantics<arbitrary>], iteration_bounds = array<i64: 8>, scalar_prefetch = 0 : i64, scratch_operands = 0 : i64, tpu.core_type = #tpu.core_type<tc>, window_params = [{transform_indices = @transform_0, window_bounds = array<i64: 1024, 16>}, {transform_indices = @transform_1, window_bounds = array<i64: 1024, 16>}, {transform_indices = @transform_2, window_bounds = array<i64: 1024, 16>}, {transform_indices = @transform_3, window_bounds = array<i64: 1024, 8>}, {pipeline_mode = #tpu.pipeline_mode<synchronous>, transform_indices = @transform_4, window_bounds = array<i64: 1, 16>}]} {
    %get3A = arith.constant 0 : index
    %get3A_0 = arith.constant 0 : index
    %get3A_1 = vector.load %arg4[%get3A, %get3A_0] : memref<1024x8xf32, #tpu.memory_space<vmem>>, vector<1024x8xf32>
    %get3A_2 = arith.constant 0 : index
    %get3A_3 = arith.constant 0 : index
    %get3A_4 = vector.load %arg1[%get3A_2, %get3A_3] : memref<1024x16xf32, #tpu.memory_space<vmem>>, vector<1024x16xf32>
    %slice3A = vector.extract_strided_slice %get3A_1 {offsets = [0, 0], sizes = [1024, 1], strides = [1, 1]} : vector<1024x8xf32> to vector<1024x1xf32>
    %sub3A = vector.broadcast %slice3A : vector<1024x1xf32> to vector<1024x16xf32>
    %sub3A_5 = arith.subf %get3A_4, %sub3A : vector<1024x16xf32>
    %get3A_6 = arith.constant 0 : index
    %get3A_7 = arith.constant 0 : index
    %get3A_8 = vector.load %arg2[%get3A_6, %get3A_7] : memref<1024x16xf32, #tpu.memory_space<vmem>>, vector<1024x16xf32>
    %slice3A_9 = vector.extract_strided_slice %get3A_1 {offsets = [0, 1], sizes = [1024, 1], strides = [1, 1]} : vector<1024x8xf32> to vector<1024x1xf32>
    %sub3A_10 = vector.broadcast %slice3A_9 : vector<1024x1xf32> to vector<1024x16xf32>
    %sub3A_11 = arith.subf %get3A_8, %sub3A_10 : vector<1024x16xf32>
    %get3A_12 = arith.constant 0 : index
    %get3A_13 = arith.constant 0 : index
    %get3A_14 = vector.load %arg3[%get3A_12, %get3A_13] : memref<1024x16xf32, #tpu.memory_space<vmem>>, vector<1024x16xf32>
    %slice3A_15 = vector.extract_strided_slice %get3A_1 {offsets = [0, 2], sizes = [1024, 1], strides = [1, 1]} : vector<1024x8xf32> to vector<1024x1xf32>
    %sub3A_16 = vector.broadcast %slice3A_15 : vector<1024x1xf32> to vector<1024x16xf32>
    %sub3A_17 = arith.subf %get3A_14, %sub3A_16 : vector<1024x16xf32>
    %reduce_sum3A = vector.shape_cast %sub3A_5 : vector<1024x16xf32> to vector<1x1024x16xf32>
    %reduce_sum3A_18 = arith.constant dense<0.000000e+00> : vector<1xf32>
    %reduce_sum3A_19 = vector.multi_reduction <add>, %reduce_sum3A, %reduce_sum3A_18 [1, 2] : vector<1x1024x16xf32> to vector<1xf32>
    %reduce_sum3A_20 = vector.shape_cast %reduce_sum3A_19 : vector<1xf32> to vector<1x1x1xf32>
    %reduce_sum3A_21 = vector.extract %reduce_sum3A_20[0, 0, 0] : f32 from vector<1x1x1xf32>
    %reduce_sum3A_22 = vector.shape_cast %sub3A_11 : vector<1024x16xf32> to vector<1x1024x16xf32>
    %reduce_sum3A_23 = arith.constant dense<0.000000e+00> : vector<1xf32>
    %reduce_sum3A_24 = vector.multi_reduction <add>, %reduce_sum3A_22, %reduce_sum3A_23 [1, 2] : vector<1x1024x16xf32> to vector<1xf32>
    %reduce_sum3A_25 = vector.shape_cast %reduce_sum3A_24 : vector<1xf32> to vector<1x1x1xf32>
    %reduce_sum3A_26 = vector.extract %reduce_sum3A_25[0, 0, 0] : f32 from vector<1x1x1xf32>
    %reduce_sum3A_27 = vector.shape_cast %sub3A_17 : vector<1024x16xf32> to vector<1x1024x16xf32>
    %reduce_sum3A_28 = arith.constant dense<0.000000e+00> : vector<1xf32>
    %reduce_sum3A_29 = vector.multi_reduction <add>, %reduce_sum3A_27, %reduce_sum3A_28 [1, 2] : vector<1x1024x16xf32> to vector<1xf32>
    %reduce_sum3A_30 = vector.shape_cast %reduce_sum3A_29 : vector<1xf32> to vector<1x1x1xf32>
    %reduce_sum3A_31 = vector.extract %reduce_sum3A_30[0, 0, 0] : f32 from vector<1x1x1xf32>
    %mul3A = arith.mulf %sub3A_5, %sub3A_5 : vector<1024x16xf32>
    %reduce_sum3A_32 = vector.shape_cast %mul3A : vector<1024x16xf32> to vector<1x1024x16xf32>
    %reduce_sum3A_33 = arith.constant dense<0.000000e+00> : vector<1xf32>
    %reduce_sum3A_34 = vector.multi_reduction <add>, %reduce_sum3A_32, %reduce_sum3A_33 [1, 2] : vector<1x1024x16xf32> to vector<1xf32>
    %reduce_sum3A_35 = vector.shape_cast %reduce_sum3A_34 : vector<1xf32> to vector<1x1x1xf32>
    %reduce_sum3A_36 = vector.extract %reduce_sum3A_35[0, 0, 0] : f32 from vector<1x1x1xf32>
    %mul3A_37 = arith.mulf %sub3A_5, %sub3A_11 : vector<1024x16xf32>
    %reduce_sum3A_38 = vector.shape_cast %mul3A_37 : vector<1024x16xf32> to vector<1x1024x16xf32>
    %reduce_sum3A_39 = arith.constant dense<0.000000e+00> : vector<1xf32>
    %reduce_sum3A_40 = vector.multi_reduction <add>, %reduce_sum3A_38, %reduce_sum3A_39 [1, 2] : vector<1x1024x16xf32> to vector<1xf32>
    %reduce_sum3A_41 = vector.shape_cast %reduce_sum3A_40 : vector<1xf32> to vector<1x1x1xf32>
    %reduce_sum3A_42 = vector.extract %reduce_sum3A_41[0, 0, 0] : f32 from vector<1x1x1xf32>
    %mul3A_43 = arith.mulf %sub3A_5, %sub3A_17 : vector<1024x16xf32>
    %reduce_sum3A_44 = vector.shape_cast %mul3A_43 : vector<1024x16xf32> to vector<1x1024x16xf32>
    %reduce_sum3A_45 = arith.constant dense<0.000000e+00> : vector<1xf32>
    %reduce_sum3A_46 = vector.multi_reduction <add>, %reduce_sum3A_44, %reduce_sum3A_45 [1, 2] : vector<1x1024x16xf32> to vector<1xf32>
    %reduce_sum3A_47 = vector.shape_cast %reduce_sum3A_46 : vector<1xf32> to vector<1x1x1xf32>
    %reduce_sum3A_48 = vector.extract %reduce_sum3A_47[0, 0, 0] : f32 from vector<1x1x1xf32>
    %mul3A_49 = arith.mulf %sub3A_11, %sub3A_11 : vector<1024x16xf32>
    %reduce_sum3A_50 = vector.shape_cast %mul3A_49 : vector<1024x16xf32> to vector<1x1024x16xf32>
    %reduce_sum3A_51 = arith.constant dense<0.000000e+00> : vector<1xf32>
    %reduce_sum3A_52 = vector.multi_reduction <add>, %reduce_sum3A_50, %reduce_sum3A_51 [1, 2] : vector<1x1024x16xf32> to vector<1xf32>
    %reduce_sum3A_53 = vector.shape_cast %reduce_sum3A_52 : vector<1xf32> to vector<1x1x1xf32>
    %reduce_sum3A_54 = vector.extract %reduce_sum3A_53[0, 0, 0] : f32 from vector<1x1x1xf32>
    %mul3A_55 = arith.mulf %sub3A_11, %sub3A_17 : vector<1024x16xf32>
    %reduce_sum3A_56 = vector.shape_cast %mul3A_55 : vector<1024x16xf32> to vector<1x1024x16xf32>
    %reduce_sum3A_57 = arith.constant dense<0.000000e+00> : vector<1xf32>
    %reduce_sum3A_58 = vector.multi_reduction <add>, %reduce_sum3A_56, %reduce_sum3A_57 [1, 2] : vector<1x1024x16xf32> to vector<1xf32>
    %reduce_sum3A_59 = vector.shape_cast %reduce_sum3A_58 : vector<1xf32> to vector<1x1x1xf32>
    %reduce_sum3A_60 = vector.extract %reduce_sum3A_59[0, 0, 0] : f32 from vector<1x1x1xf32>
    %mul3A_61 = arith.mulf %sub3A_17, %sub3A_17 : vector<1024x16xf32>
    %reduce_sum3A_62 = vector.shape_cast %mul3A_61 : vector<1024x16xf32> to vector<1x1024x16xf32>
    %reduce_sum3A_63 = arith.constant dense<0.000000e+00> : vector<1xf32>
    %reduce_sum3A_64 = vector.multi_reduction <add>, %reduce_sum3A_62, %reduce_sum3A_63 [1, 2] : vector<1x1024x16xf32> to vector<1xf32>
    %reduce_sum3A_65 = vector.shape_cast %reduce_sum3A_64 : vector<1xf32> to vector<1x1x1xf32>
    %reduce_sum3A_66 = vector.extract %reduce_sum3A_65[0, 0, 0] : f32 from vector<1x1x1xf32>
    %reshape3A = vector.broadcast %reduce_sum3A_21 : f32 to vector<1x1xf32>
    %reshape3A_67 = vector.broadcast %reduce_sum3A_26 : f32 to vector<1x1xf32>
    %reshape3A_68 = vector.broadcast %reduce_sum3A_31 : f32 to vector<1x1xf32>
    %reshape3A_69 = vector.broadcast %reduce_sum3A_36 : f32 to vector<1x1xf32>
    %reshape3A_70 = vector.broadcast %reduce_sum3A_42 : f32 to vector<1x1xf32>
    %reshape3A_71 = vector.broadcast %reduce_sum3A_48 : f32 to vector<1x1xf32>
    %reshape3A_72 = vector.broadcast %reduce_sum3A_54 : f32 to vector<1x1xf32>
    %reshape3A_73 = vector.broadcast %reduce_sum3A_60 : f32 to vector<1x1xf32>
    %reshape3A_74 = vector.broadcast %reduce_sum3A_66 : f32 to vector<1x1xf32>
    %broadcast_in_dim3A = arith.constant 0.000000e+00 : f32
    %broadcast_in_dim3A_75 = vector.broadcast %broadcast_in_dim3A : f32 to vector<1x7xf32>
    %concatenate3A = tpu.concatenate %reshape3A, %reshape3A_67, %reshape3A_68, %reshape3A_69, %reshape3A_70, %reshape3A_71, %reshape3A_72, %reshape3A_73, %reshape3A_74, %broadcast_in_dim3A_75 in 1 : vector<1x1xf32>, vector<1x1xf32>, vector<1x1xf32>, vector<1x1xf32>, vector<1x1xf32>, vector<1x1xf32>, vector<1x1xf32>, vector<1x1xf32>, vector<1x1xf32>, vector<1x7xf32> -> vector<1x16xf32>
    %eq3A = arith.constant 0 : i32
    %eq3A_76 = arith.cmpi eq, %arg0, %eq3A : i32
    %convert_element_type3A = arith.extui %eq3A_76 : i1 to i32
    %cond3A = arith.constant 0 : i32
    %cond3A_77 = arith.cmpi ne, %convert_element_type3A, %cond3A : i32
    scf.if %cond3A_77 {
      %broadcast_in_dim3A_83 = arith.constant 0.000000e+00 : f32
      %broadcast_in_dim3A_84 = vector.broadcast %broadcast_in_dim3A_83 : f32 to vector<1x16xf32>
      %swap3A_85 = arith.constant 0 : index
      %swap3A_86 = arith.constant 0 : index
      %swap3A_87 = vector.load %arg5[%swap3A_85, %swap3A_86] : memref<1x16xf32, #tpu.memory_space<vmem>>, vector<1x16xf32>
      tpu.vector_store %arg5[%swap3A_85, %swap3A_86], %broadcast_in_dim3A_84 {strides = array<i32>} : memref<1x16xf32, #tpu.memory_space<vmem>>, vector<1x16xf32>,
    } else {
    }
    %get3A_78 = arith.constant 0 : index
    %get3A_79 = arith.constant 0 : index
    %get3A_80 = vector.load %arg5[%get3A_78, %get3A_79] : memref<1x16xf32, #tpu.memory_space<vmem>>, vector<1x16xf32>
    %add3A = arith.addf %get3A_80, %concatenate3A : vector<1x16xf32>
    %swap3A = arith.constant 0 : index
    %swap3A_81 = arith.constant 0 : index
    %swap3A_82 = vector.load %arg5[%swap3A, %swap3A_81] : memref<1x16xf32, #tpu.memory_space<vmem>>, vector<1x16xf32>
    tpu.vector_store %arg5[%swap3A, %swap3A_81], %add3A {strides = array<i32>} : memref<1x16xf32, #tpu.memory_space<vmem>>, vector<1x16xf32>,
    return
  }
  func.func @transform_0(%arg0: i32) -> (i32, i32) {
    %c0_i32 = arith.constant 0 : i32
    %c0_i32_0 = arith.constant 0 : i32
    return %arg0, %c0_i32 : i32, i32
  }
  func.func @transform_1(%arg0: i32) -> (i32, i32) {
    %c0_i32 = arith.constant 0 : i32
    %c0_i32_0 = arith.constant 0 : i32
    return %arg0, %c0_i32 : i32, i32
  }
  func.func @transform_2(%arg0: i32) -> (i32, i32) {
    %c0_i32 = arith.constant 0 : i32
    %c0_i32_0 = arith.constant 0 : i32
    return %arg0, %c0_i32 : i32, i32
  }
  func.func @transform_3(%arg0: i32) -> (i32, i32) {
    %c0_i32 = arith.constant 0 : i32
    %c0_i32_0 = arith.constant 0 : i32
    return %arg0, %c0_i32 : i32, i32
  }
  func.func @transform_4(%arg0: i32) -> (i32, i32) {
    %c0_i32 = arith.constant 0 : i32
    %c0_i32_0 = arith.constant 0 : i32
    %c0_i32_1 = arith.constant 0 : i32
    return %c0_i32, %c0_i32_0 : i32, i32
  }
}

module attributes {stable_mosaic.version = 14 : i64} {
  func.func @_attn_body(%arg0: i32, %arg1: memref<256x1x256xf32, #tpu.memory_space<vmem>>, %arg2: memref<256x16x256xf32, #tpu.memory_space<vmem>>, %arg3: memref<256x16x256xf32, #tpu.memory_space<vmem>>, %arg4: memref<256x16xf32, #tpu.memory_space<vmem>>, %arg5: memref<256x16xf32, #tpu.memory_space<vmem>>, %arg6: memref<256x16xf32, #tpu.memory_space<vmem>>, %arg7: memref<256x8xf32, #tpu.memory_space<vmem>>, %arg8: memref<1x16xf32, #tpu.memory_space<smem>>, %arg9: memref<3x3xf32, #tpu.memory_space<smem>>, %arg10: memref<3xf32, #tpu.memory_space<smem>>, %arg11: memref<3xf32, #tpu.memory_space<smem>>, %arg12: memref<3xf32, #tpu.memory_space<smem>>, %arg13: memref<4x256xf32, #tpu.memory_space<vmem>>, %arg14: memref<256x128xf32, #tpu.memory_space<vmem>>, %arg15: memref<256x256xf32, #tpu.memory_space<vmem>>) attributes {dimension_semantics = [#tpu.dimension_semantics<arbitrary>], iteration_bounds = array<i64: 32>, scalar_prefetch = 0 : i64, scratch_operands = 0 : i64, tpu.core_type = #tpu.core_type<tc>, window_params = [{transform_indices = @transform_0, window_bounds = array<i64: 256, 1, 256>}, {transform_indices = @transform_1, window_bounds = array<i64: 256, 16, 256>}, {transform_indices = @transform_2, window_bounds = array<i64: 256, 16, 256>}, {transform_indices = @transform_3, window_bounds = array<i64: 256, 16>}, {transform_indices = @transform_4, window_bounds = array<i64: 256, 16>}, {transform_indices = @transform_5, window_bounds = array<i64: 256, 16>}, {transform_indices = @transform_6, window_bounds = array<i64: 256, 8>}, {transform_indices = @transform_7, window_bounds = array<i64: 1, 16>}, {transform_indices = @transform_8, window_bounds = array<i64: 3, 3>}, {transform_indices = @transform_9, window_bounds = array<i64: 3>}, {transform_indices = @transform_10, window_bounds = array<i64: 3>}, {transform_indices = @transform_11, window_bounds = array<i64: 3>}, {pipeline_mode = #tpu.pipeline_mode<synchronous>, transform_indices = @transform_12, window_bounds = array<i64: 4, 256>}, {pipeline_mode = #tpu.pipeline_mode<synchronous>, transform_indices = @transform_13, window_bounds = array<i64: 256, 128>}, {transform_indices = @transform_14, window_bounds = array<i64: 256, 256>}]} {
    %get3A = arith.constant 0 : index
    %get3A_0 = arith.constant 0 : index
    %get3A_1 = vector.load %arg7[%get3A, %get3A_0] : memref<256x8xf32, #tpu.memory_space<vmem>>, vector<256x8xf32>
    %get3A_2 = arith.constant 0 : index
    %get3A_3 = arith.constant 0 : index
    %get3A_4 = vector.load %arg4[%get3A_2, %get3A_3] : memref<256x16xf32, #tpu.memory_space<vmem>>, vector<256x16xf32>
    %slice3A = vector.extract_strided_slice %get3A_1 {offsets = [0, 0], sizes = [256, 1], strides = [1, 1]} : vector<256x8xf32> to vector<256x1xf32>
    %sub3A = vector.broadcast %slice3A : vector<256x1xf32> to vector<256x16xf32>
    %sub3A_5 = arith.subf %get3A_4, %sub3A : vector<256x16xf32>
    %get3A_6 = arith.constant 0 : index
    %get3A_7 = arith.constant 0 : index
    %get3A_8 = vector.load %arg5[%get3A_6, %get3A_7] : memref<256x16xf32, #tpu.memory_space<vmem>>, vector<256x16xf32>
    %slice3A_9 = vector.extract_strided_slice %get3A_1 {offsets = [0, 1], sizes = [256, 1], strides = [1, 1]} : vector<256x8xf32> to vector<256x1xf32>
    %sub3A_10 = vector.broadcast %slice3A_9 : vector<256x1xf32> to vector<256x16xf32>
    %sub3A_11 = arith.subf %get3A_8, %sub3A_10 : vector<256x16xf32>
    %get3A_12 = arith.constant 0 : index
    %get3A_13 = arith.constant 0 : index
    %get3A_14 = vector.load %arg6[%get3A_12, %get3A_13] : memref<256x16xf32, #tpu.memory_space<vmem>>, vector<256x16xf32>
    %slice3A_15 = vector.extract_strided_slice %get3A_1 {offsets = [0, 2], sizes = [256, 1], strides = [1, 1]} : vector<256x8xf32> to vector<256x1xf32>
    %sub3A_16 = vector.broadcast %slice3A_15 : vector<256x1xf32> to vector<256x16xf32>
    %sub3A_17 = arith.subf %get3A_14, %sub3A_16 : vector<256x16xf32>
    %get3A_18 = arith.constant 0 : index
    %get3A_19 = arith.constant 0 : index
    %get3A_20 = memref.load %arg8[%get3A_18, %get3A_19] : memref<1x16xf32, #tpu.memory_space<smem>>
    %get3A_21 = arith.constant 0 : index
    %get3A_22 = arith.constant 1 : index
    %get3A_23 = memref.load %arg8[%get3A_21, %get3A_22] : memref<1x16xf32, #tpu.memory_space<smem>>
    %get3A_24 = arith.constant 0 : index
    %get3A_25 = arith.constant 2 : index
    %get3A_26 = memref.load %arg8[%get3A_24, %get3A_25] : memref<1x16xf32, #tpu.memory_space<smem>>
    %get3A_27 = arith.constant 0 : index
    %get3A_28 = arith.constant 3 : index
    %get3A_29 = memref.load %arg8[%get3A_27, %get3A_28] : memref<1x16xf32, #tpu.memory_space<smem>>
    %get3A_30 = arith.constant 0 : index
    %get3A_31 = arith.constant 4 : index
    %get3A_32 = memref.load %arg8[%get3A_30, %get3A_31] : memref<1x16xf32, #tpu.memory_space<smem>>
    %get3A_33 = arith.constant 0 : index
    %get3A_34 = arith.constant 5 : index
    %get3A_35 = memref.load %arg8[%get3A_33, %get3A_34] : memref<1x16xf32, #tpu.memory_space<smem>>
    %get3A_36 = arith.constant 0 : index
    %get3A_37 = arith.constant 6 : index
    %get3A_38 = memref.load %arg8[%get3A_36, %get3A_37] : memref<1x16xf32, #tpu.memory_space<smem>>
    %get3A_39 = arith.constant 0 : index
    %get3A_40 = arith.constant 7 : index
    %get3A_41 = memref.load %arg8[%get3A_39, %get3A_40] : memref<1x16xf32, #tpu.memory_space<smem>>
    %get3A_42 = arith.constant 0 : index
    %get3A_43 = arith.constant 8 : index
    %get3A_44 = memref.load %arg8[%get3A_42, %get3A_43] : memref<1x16xf32, #tpu.memory_space<smem>>
    %get3A_45 = arith.constant 0 : index
    %get3A_46 = arith.constant 0 : index
    %get3A_47 = memref.load %arg9[%get3A_45, %get3A_46] : memref<3x3xf32, #tpu.memory_space<smem>>
    %get3A_48 = arith.constant 1 : index
    %get3A_49 = arith.constant 0 : index
    %get3A_50 = memref.load %arg9[%get3A_48, %get3A_49] : memref<3x3xf32, #tpu.memory_space<smem>>
    %get3A_51 = arith.constant 2 : index
    %get3A_52 = arith.constant 0 : index
    %get3A_53 = memref.load %arg9[%get3A_51, %get3A_52] : memref<3x3xf32, #tpu.memory_space<smem>>
    %get3A_54 = arith.constant 0 : index
    %get3A_55 = memref.load %arg10[%get3A_54] : memref<3xf32, #tpu.memory_space<smem>>
    %mul3A = vector.broadcast %get3A_47 : f32 to vector<256x16xf32>
    %mul3A_56 = arith.mulf %sub3A_5, %mul3A : vector<256x16xf32>
    %mul3A_57 = vector.broadcast %get3A_50 : f32 to vector<256x16xf32>
    %mul3A_58 = arith.mulf %sub3A_11, %mul3A_57 : vector<256x16xf32>
    %add3A = arith.addf %mul3A_56, %mul3A_58 : vector<256x16xf32>
    %mul3A_59 = vector.broadcast %get3A_53 : f32 to vector<256x16xf32>
    %mul3A_60 = arith.mulf %sub3A_17, %mul3A_59 : vector<256x16xf32>
    %add3A_61 = arith.addf %add3A, %mul3A_60 : vector<256x16xf32>
    %add3A_62 = vector.broadcast %get3A_55 : f32 to vector<256x16xf32>
    %add3A_63 = arith.addf %add3A_61, %add3A_62 : vector<256x16xf32>
    %mul3A_64 = arith.mulf %get3A_20, %get3A_47 : f32
    %mul3A_65 = arith.mulf %get3A_23, %get3A_50 : f32
    %add3A_66 = arith.addf %mul3A_64, %mul3A_65 : f32
    %mul3A_67 = arith.mulf %get3A_26, %get3A_53 : f32
    %add3A_68 = arith.addf %add3A_66, %mul3A_67 : f32
    %div3A = arith.constant 1.310720e+05 : f32
    %div3A_69 = arith.divf %add3A_68, %div3A : f32
    %add3A_70 = arith.addf %div3A_69, %get3A_55 : f32
    %mul3A_71 = arith.mulf %get3A_47, %get3A_47 : f32
    %mul3A_72 = arith.mulf %mul3A_71, %get3A_29 : f32
    %mul3A_73 = arith.mulf %get3A_50, %get3A_50 : f32
    %mul3A_74 = arith.mulf %mul3A_73, %get3A_38 : f32
    %add3A_75 = arith.addf %mul3A_72, %mul3A_74 : f32
    %mul3A_76 = arith.mulf %get3A_53, %get3A_53 : f32
    %mul3A_77 = arith.mulf %mul3A_76, %get3A_44 : f32
    %add3A_78 = arith.addf %add3A_75, %mul3A_77 : f32
    %mul3A_79 = arith.mulf %get3A_47, %get3A_50 : f32
    %mul3A_80 = arith.mulf %mul3A_79, %get3A_32 : f32
    %mul3A_81 = arith.mulf %get3A_47, %get3A_53 : f32
    %mul3A_82 = arith.mulf %mul3A_81, %get3A_35 : f32
    %add3A_83 = arith.addf %mul3A_80, %mul3A_82 : f32
    %mul3A_84 = arith.mulf %get3A_50, %get3A_53 : f32
    %mul3A_85 = arith.mulf %mul3A_84, %get3A_41 : f32
    %add3A_86 = arith.addf %add3A_83, %mul3A_85 : f32
    %mul3A_87 = arith.constant 2.000000e+00 : f32
    %mul3A_88 = arith.mulf %mul3A_87, %add3A_86 : f32
    %add3A_89 = arith.addf %add3A_78, %mul3A_88 : f32
    %div3A_90 = arith.constant 1.310720e+05 : f32
    %div3A_91 = arith.divf %add3A_89, %div3A_90 : f32
    %mul3A_92 = arith.constant 2.000000e+00 : f32
    %mul3A_93 = arith.mulf %mul3A_92, %get3A_55 : f32
    %mul3A_94 = arith.mulf %mul3A_93, %add3A_68 : f32
    %div3A_95 = arith.constant 1.310720e+05 : f32
    %div3A_96 = arith.divf %mul3A_94, %div3A_95 : f32
    %add3A_97 = arith.addf %div3A_91, %div3A_96 : f32
    %mul3A_98 = arith.mulf %get3A_55, %get3A_55 : f32
    %add3A_99 = arith.addf %add3A_97, %mul3A_98 : f32
    %mul3A_100 = arith.mulf %add3A_70, %add3A_70 : f32
    %sub3A_101 = arith.subf %add3A_99, %mul3A_100 : f32
    %get3A_102 = arith.constant 0 : index
    %get3A_103 = memref.load %arg11[%get3A_102] : memref<3xf32, #tpu.memory_space<smem>>
    %add3A_104 = arith.constant 9.99999974E-6 : f32
    %add3A_105 = arith.addf %sub3A_101, %add3A_104 : f32
    %sqrt3A = math.sqrt %add3A_105 : f32
    %div3A_106 = arith.divf %get3A_103, %sqrt3A : f32
    %sub3A_107 = vector.broadcast %add3A_70 : f32 to vector<256x16xf32>
    %sub3A_108 = arith.subf %add3A_63, %sub3A_107 : vector<256x16xf32>
    %mul3A_109 = vector.broadcast %div3A_106 : f32 to vector<256x16xf32>
    %mul3A_110 = arith.mulf %sub3A_108, %mul3A_109 : vector<256x16xf32>
    %get3A_111 = arith.constant 0 : index
    %get3A_112 = memref.load %arg12[%get3A_111] : memref<3xf32, #tpu.memory_space<smem>>
    %add3A_113 = vector.broadcast %get3A_112 : f32 to vector<256x16xf32>
    %add3A_114 = arith.addf %mul3A_110, %add3A_113 : vector<256x16xf32>
    %max3A = arith.constant 0.000000e+00 : f32
    %max3A_115 = vector.broadcast %max3A : f32 to vector<256x16xf32>
    %max3A_116 = arith.maximumf %add3A_114, %max3A_115 : vector<256x16xf32>
    %get3A_117 = arith.constant 0 : index
    %get3A_118 = arith.constant 1 : index
    %get3A_119 = memref.load %arg9[%get3A_117, %get3A_118] : memref<3x3xf32, #tpu.memory_space<smem>>
    %get3A_120 = arith.constant 1 : index
    %get3A_121 = arith.constant 1 : index
    %get3A_122 = memref.load %arg9[%get3A_120, %get3A_121] : memref<3x3xf32, #tpu.memory_space<smem>>
    %get3A_123 = arith.constant 2 : index
    %get3A_124 = arith.constant 1 : index
    %get3A_125 = memref.load %arg9[%get3A_123, %get3A_124] : memref<3x3xf32, #tpu.memory_space<smem>>
    %get3A_126 = arith.constant 1 : index
    %get3A_127 = memref.load %arg10[%get3A_126] : memref<3xf32, #tpu.memory_space<smem>>
    %mul3A_128 = vector.broadcast %get3A_119 : f32 to vector<256x16xf32>
    %mul3A_129 = arith.mulf %sub3A_5, %mul3A_128 : vector<256x16xf32>
    %mul3A_130 = vector.broadcast %get3A_122 : f32 to vector<256x16xf32>
    %mul3A_131 = arith.mulf %sub3A_11, %mul3A_130 : vector<256x16xf32>
    %add3A_132 = arith.addf %mul3A_129, %mul3A_131 : vector<256x16xf32>
    %mul3A_133 = vector.broadcast %get3A_125 : f32 to vector<256x16xf32>
    %mul3A_134 = arith.mulf %sub3A_17, %mul3A_133 : vector<256x16xf32>
    %add3A_135 = arith.addf %add3A_132, %mul3A_134 : vector<256x16xf32>
    %add3A_136 = vector.broadcast %get3A_127 : f32 to vector<256x16xf32>
    %add3A_137 = arith.addf %add3A_135, %add3A_136 : vector<256x16xf32>
    %mul3A_138 = arith.mulf %get3A_20, %get3A_119 : f32
    %mul3A_139 = arith.mulf %get3A_23, %get3A_122 : f32
    %add3A_140 = arith.addf %mul3A_138, %mul3A_139 : f32
    %mul3A_141 = arith.mulf %get3A_26, %get3A_125 : f32
    %add3A_142 = arith.addf %add3A_140, %mul3A_141 : f32
    %div3A_143 = arith.constant 1.310720e+05 : f32
    %div3A_144 = arith.divf %add3A_142, %div3A_143 : f32
    %add3A_145 = arith.addf %div3A_144, %get3A_127 : f32
    %mul3A_146 = arith.mulf %get3A_119, %get3A_119 : f32
    %mul3A_147 = arith.mulf %mul3A_146, %get3A_29 : f32
    %mul3A_148 = arith.mulf %get3A_122, %get3A_122 : f32
    %mul3A_149 = arith.mulf %mul3A_148, %get3A_38 : f32
    %add3A_150 = arith.addf %mul3A_147, %mul3A_149 : f32
    %mul3A_151 = arith.mulf %get3A_125, %get3A_125 : f32
    %mul3A_152 = arith.mulf %mul3A_151, %get3A_44 : f32
    %add3A_153 = arith.addf %add3A_150, %mul3A_152 : f32
    %mul3A_154 = arith.mulf %get3A_119, %get3A_122 : f32
    %mul3A_155 = arith.mulf %mul3A_154, %get3A_32 : f32
    %mul3A_156 = arith.mulf %get3A_119, %get3A_125 : f32
    %mul3A_157 = arith.mulf %mul3A_156, %get3A_35 : f32
    %add3A_158 = arith.addf %mul3A_155, %mul3A_157 : f32
    %mul3A_159 = arith.mulf %get3A_122, %get3A_125 : f32
    %mul3A_160 = arith.mulf %mul3A_159, %get3A_41 : f32
    %add3A_161 = arith.addf %add3A_158, %mul3A_160 : f32
    %mul3A_162 = arith.constant 2.000000e+00 : f32
    %mul3A_163 = arith.mulf %mul3A_162, %add3A_161 : f32
    %add3A_164 = arith.addf %add3A_153, %mul3A_163 : f32
    %div3A_165 = arith.constant 1.310720e+05 : f32
    %div3A_166 = arith.divf %add3A_164, %div3A_165 : f32
    %mul3A_167 = arith.constant 2.000000e+00 : f32
    %mul3A_168 = arith.mulf %mul3A_167, %get3A_127 : f32
    %mul3A_169 = arith.mulf %mul3A_168, %add3A_142 : f32
    %div3A_170 = arith.constant 1.310720e+05 : f32
    %div3A_171 = arith.divf %mul3A_169, %div3A_170 : f32
    %add3A_172 = arith.addf %div3A_166, %div3A_171 : f32
    %mul3A_173 = arith.mulf %get3A_127, %get3A_127 : f32
    %add3A_174 = arith.addf %add3A_172, %mul3A_173 : f32
    %mul3A_175 = arith.mulf %add3A_145, %add3A_145 : f32
    %sub3A_176 = arith.subf %add3A_174, %mul3A_175 : f32
    %get3A_177 = arith.constant 1 : index
    %get3A_178 = memref.load %arg11[%get3A_177] : memref<3xf32, #tpu.memory_space<smem>>
    %add3A_179 = arith.constant 9.99999974E-6 : f32
    %add3A_180 = arith.addf %sub3A_176, %add3A_179 : f32
    %sqrt3A_181 = math.sqrt %add3A_180 : f32
    %div3A_182 = arith.divf %get3A_178, %sqrt3A_181 : f32
    %sub3A_183 = vector.broadcast %add3A_145 : f32 to vector<256x16xf32>
    %sub3A_184 = arith.subf %add3A_137, %sub3A_183 : vector<256x16xf32>
    %mul3A_185 = vector.broadcast %div3A_182 : f32 to vector<256x16xf32>
    %mul3A_186 = arith.mulf %sub3A_184, %mul3A_185 : vector<256x16xf32>
    %get3A_187 = arith.constant 1 : index
    %get3A_188 = memref.load %arg12[%get3A_187] : memref<3xf32, #tpu.memory_space<smem>>
    %add3A_189 = vector.broadcast %get3A_188 : f32 to vector<256x16xf32>
    %add3A_190 = arith.addf %mul3A_186, %add3A_189 : vector<256x16xf32>
    %max3A_191 = arith.constant 0.000000e+00 : f32
    %max3A_192 = vector.broadcast %max3A_191 : f32 to vector<256x16xf32>
    %max3A_193 = arith.maximumf %add3A_190, %max3A_192 : vector<256x16xf32>
    %get3A_194 = arith.constant 0 : index
    %get3A_195 = arith.constant 2 : index
    %get3A_196 = memref.load %arg9[%get3A_194, %get3A_195] : memref<3x3xf32, #tpu.memory_space<smem>>
    %get3A_197 = arith.constant 1 : index
    %get3A_198 = arith.constant 2 : index
    %get3A_199 = memref.load %arg9[%get3A_197, %get3A_198] : memref<3x3xf32, #tpu.memory_space<smem>>
    %get3A_200 = arith.constant 2 : index
    %get3A_201 = arith.constant 2 : index
    %get3A_202 = memref.load %arg9[%get3A_200, %get3A_201] : memref<3x3xf32, #tpu.memory_space<smem>>
    %get3A_203 = arith.constant 2 : index
    %get3A_204 = memref.load %arg10[%get3A_203] : memref<3xf32, #tpu.memory_space<smem>>
    %mul3A_205 = vector.broadcast %get3A_196 : f32 to vector<256x16xf32>
    %mul3A_206 = arith.mulf %sub3A_5, %mul3A_205 : vector<256x16xf32>
    %mul3A_207 = vector.broadcast %get3A_199 : f32 to vector<256x16xf32>
    %mul3A_208 = arith.mulf %sub3A_11, %mul3A_207 : vector<256x16xf32>
    %add3A_209 = arith.addf %mul3A_206, %mul3A_208 : vector<256x16xf32>
    %mul3A_210 = vector.broadcast %get3A_202 : f32 to vector<256x16xf32>
    %mul3A_211 = arith.mulf %sub3A_17, %mul3A_210 : vector<256x16xf32>
    %add3A_212 = arith.addf %add3A_209, %mul3A_211 : vector<256x16xf32>
    %add3A_213 = vector.broadcast %get3A_204 : f32 to vector<256x16xf32>
    %add3A_214 = arith.addf %add3A_212, %add3A_213 : vector<256x16xf32>
    %mul3A_215 = arith.mulf %get3A_20, %get3A_196 : f32
    %mul3A_216 = arith.mulf %get3A_23, %get3A_199 : f32
    %add3A_217 = arith.addf %mul3A_215, %mul3A_216 : f32
    %mul3A_218 = arith.mulf %get3A_26, %get3A_202 : f32
    %add3A_219 = arith.addf %add3A_217, %mul3A_218 : f32
    %div3A_220 = arith.constant 1.310720e+05 : f32
    %div3A_221 = arith.divf %add3A_219, %div3A_220 : f32
    %add3A_222 = arith.addf %div3A_221, %get3A_204 : f32
    %mul3A_223 = arith.mulf %get3A_196, %get3A_196 : f32
    %mul3A_224 = arith.mulf %mul3A_223, %get3A_29 : f32
    %mul3A_225 = arith.mulf %get3A_199, %get3A_199 : f32
    %mul3A_226 = arith.mulf %mul3A_225, %get3A_38 : f32
    %add3A_227 = arith.addf %mul3A_224, %mul3A_226 : f32
    %mul3A_228 = arith.mulf %get3A_202, %get3A_202 : f32
    %mul3A_229 = arith.mulf %mul3A_228, %get3A_44 : f32
    %add3A_230 = arith.addf %add3A_227, %mul3A_229 : f32
    %mul3A_231 = arith.mulf %get3A_196, %get3A_199 : f32
    %mul3A_232 = arith.mulf %mul3A_231, %get3A_32 : f32
    %mul3A_233 = arith.mulf %get3A_196, %get3A_202 : f32
    %mul3A_234 = arith.mulf %mul3A_233, %get3A_35 : f32
    %add3A_235 = arith.addf %mul3A_232, %mul3A_234 : f32
    %mul3A_236 = arith.mulf %get3A_199, %get3A_202 : f32
    %mul3A_237 = arith.mulf %mul3A_236, %get3A_41 : f32
    %add3A_238 = arith.addf %add3A_235, %mul3A_237 : f32
    %mul3A_239 = arith.constant 2.000000e+00 : f32
    %mul3A_240 = arith.mulf %mul3A_239, %add3A_238 : f32
    %add3A_241 = arith.addf %add3A_230, %mul3A_240 : f32
    %div3A_242 = arith.constant 1.310720e+05 : f32
    %div3A_243 = arith.divf %add3A_241, %div3A_242 : f32
    %mul3A_244 = arith.constant 2.000000e+00 : f32
    %mul3A_245 = arith.mulf %mul3A_244, %get3A_204 : f32
    %mul3A_246 = arith.mulf %mul3A_245, %add3A_219 : f32
    %div3A_247 = arith.constant 1.310720e+05 : f32
    %div3A_248 = arith.divf %mul3A_246, %div3A_247 : f32
    %add3A_249 = arith.addf %div3A_243, %div3A_248 : f32
    %mul3A_250 = arith.mulf %get3A_204, %get3A_204 : f32
    %add3A_251 = arith.addf %add3A_249, %mul3A_250 : f32
    %mul3A_252 = arith.mulf %add3A_222, %add3A_222 : f32
    %sub3A_253 = arith.subf %add3A_251, %mul3A_252 : f32
    %get3A_254 = arith.constant 2 : index
    %get3A_255 = memref.load %arg11[%get3A_254] : memref<3xf32, #tpu.memory_space<smem>>
    %add3A_256 = arith.constant 9.99999974E-6 : f32
    %add3A_257 = arith.addf %sub3A_253, %add3A_256 : f32
    %sqrt3A_258 = math.sqrt %add3A_257 : f32
    %div3A_259 = arith.divf %get3A_255, %sqrt3A_258 : f32
    %sub3A_260 = vector.broadcast %add3A_222 : f32 to vector<256x16xf32>
    %sub3A_261 = arith.subf %add3A_214, %sub3A_260 : vector<256x16xf32>
    %mul3A_262 = vector.broadcast %div3A_259 : f32 to vector<256x16xf32>
    %mul3A_263 = arith.mulf %sub3A_261, %mul3A_262 : vector<256x16xf32>
    %get3A_264 = arith.constant 2 : index
    %get3A_265 = memref.load %arg12[%get3A_264] : memref<3xf32, #tpu.memory_space<smem>>
    %add3A_266 = vector.broadcast %get3A_265 : f32 to vector<256x16xf32>
    %add3A_267 = arith.addf %mul3A_263, %add3A_266 : vector<256x16xf32>
    %max3A_268 = arith.constant 0.000000e+00 : f32
    %max3A_269 = vector.broadcast %max3A_268 : f32 to vector<256x16xf32>
    %max3A_270 = arith.maximumf %add3A_267, %max3A_269 : vector<256x16xf32>
    %get3A_271 = arith.constant 0 : index
    %get3A_272 = arith.constant 0 : index
    %get3A_273 = arith.constant 0 : index
    %get3A_274 = vector.load %arg1[%get3A_271, %get3A_272, %get3A_273] : memref<256x1x256xf32, #tpu.memory_space<vmem>>, vector<256x1x256xf32>
    %reshape3A = vector.shape_cast %get3A_274 : vector<256x1x256xf32> to vector<256x256xf32>
    %get3A_275 = arith.constant 0 : index
    %get3A_276 = arith.constant 0 : index
    %get3A_277 = vector.load %arg14[%get3A_275, %get3A_276] : memref<256x128xf32, #tpu.memory_space<vmem>>, vector<256x128xf32>
    %dot_general3A = arith.constant dense<0.000000e+00> : vector<256x128xf32>
    %dot_general3A_278 = tpu.matmul %reshape3A, %get3A_277, %dot_general3A {dimension_numbers = #tpu.dot_dimension_numbers<[1], [0], [0], [1], [0, 0, 1, 1], [], []>, transpose_lhs_hint = false} : vector<256x256xf32>, vector<256x128xf32>, vector<256x128xf32> -> vector<256x128xf32>
    %get3A_279 = arith.constant 0 : index
    %get3A_280 = arith.constant 0 : index
    %get3A_281 = arith.constant 0 : index
    %get3A_282 = vector.load %arg2[%get3A_279, %get3A_280, %get3A_281] : memref<256x16x256xf32, #tpu.memory_space<vmem>>, vector<256x16x256xf32>
    %mul3A_283 = vector.broadcast %get3A_274 : vector<256x1x256xf32> to vector<256x16x256xf32>
    %mul3A_284 = arith.mulf %mul3A_283, %get3A_282 : vector<256x16x256xf32>
    %reduce_sum3A = arith.constant dense<0.000000e+00> : vector<256x16xf32>
    %reduce_sum3A_285 = vector.multi_reduction <add>, %mul3A_284, %reduce_sum3A [2] : vector<256x16x256xf32> to vector<256x16xf32>
    %slice3A_286 = vector.extract_strided_slice %dot_general3A_278 {offsets = [0, 3], sizes = [256, 1], strides = [1, 1]} : vector<256x128xf32> to vector<256x1xf32>
    %add3A_287 = vector.broadcast %slice3A_286 : vector<256x1xf32> to vector<256x16xf32>
    %add3A_288 = arith.addf %reduce_sum3A_285, %add3A_287 : vector<256x16xf32>
    %slice3A_289 = vector.extract_strided_slice %dot_general3A_278 {offsets = [0, 0], sizes = [256, 1], strides = [1, 1]} : vector<256x128xf32> to vector<256x1xf32>
    %mul3A_290 = vector.broadcast %slice3A_289 : vector<256x1xf32> to vector<256x16xf32>
    %mul3A_291 = arith.mulf %max3A_116, %mul3A_290 : vector<256x16xf32>
    %add3A_292 = arith.addf %add3A_288, %mul3A_291 : vector<256x16xf32>
    %slice3A_293 = vector.extract_strided_slice %dot_general3A_278 {offsets = [0, 1], sizes = [256, 1], strides = [1, 1]} : vector<256x128xf32> to vector<256x1xf32>
    %mul3A_294 = vector.broadcast %slice3A_293 : vector<256x1xf32> to vector<256x16xf32>
    %mul3A_295 = arith.mulf %max3A_193, %mul3A_294 : vector<256x16xf32>
    %add3A_296 = arith.addf %add3A_292, %mul3A_295 : vector<256x16xf32>
    %slice3A_297 = vector.extract_strided_slice %dot_general3A_278 {offsets = [0, 2], sizes = [256, 1], strides = [1, 1]} : vector<256x128xf32> to vector<256x1xf32>
    %mul3A_298 = vector.broadcast %slice3A_297 : vector<256x1xf32> to vector<256x16xf32>
    %mul3A_299 = arith.mulf %max3A_270, %mul3A_298 : vector<256x16xf32>
    %add3A_300 = arith.addf %add3A_296, %mul3A_299 : vector<256x16xf32>
    %mul3A_301 = arith.constant 6.250000e-02 : f32
    %mul3A_302 = vector.broadcast %mul3A_301 : f32 to vector<256x16xf32>
    %mul3A_303 = arith.mulf %add3A_300, %mul3A_302 : vector<256x16xf32>
    %reduce_max3A = arith.constant dense<0xFF800000> : vector<256xf32>
    %reduce_max3A_304 = vector.multi_reduction <maximumf>, %mul3A_303, %reduce_max3A [1] : vector<256x16xf32> to vector<256xf32>
    %broadcast_in_dim3A = vector.shape_cast %reduce_max3A_304 : vector<256xf32> to vector<256x1xf32>
    %sub3A_305 = vector.broadcast %broadcast_in_dim3A : vector<256x1xf32> to vector<256x16xf32>
    %sub3A_306 = arith.subf %mul3A_303, %sub3A_305 : vector<256x16xf32>
    %exp3A = math.exp %sub3A_306 : vector<256x16xf32>
    %reduce_sum3A_307 = arith.constant dense<0.000000e+00> : vector<256xf32>
    %reduce_sum3A_308 = vector.multi_reduction <add>, %exp3A, %reduce_sum3A_307 [1] : vector<256x16xf32> to vector<256xf32>
    %broadcast_in_dim3A_309 = vector.shape_cast %reduce_sum3A_308 : vector<256xf32> to vector<256x1xf32>
    %div3A_310 = vector.broadcast %broadcast_in_dim3A_309 : vector<256x1xf32> to vector<256x16xf32>
    %div3A_311 = arith.divf %exp3A, %div3A_310 : vector<256x16xf32>
    %reshape3A_312 = vector.shape_cast %div3A_311 : vector<256x16xf32> to vector<256x16x1xf32>
    %get3A_313 = arith.constant 0 : index
    %get3A_314 = arith.constant 0 : index
    %get3A_315 = arith.constant 0 : index
    %get3A_316 = vector.load %arg3[%get3A_313, %get3A_314, %get3A_315] : memref<256x16x256xf32, #tpu.memory_space<vmem>>, vector<256x16x256xf32>
    %mul3A_317 = vector.broadcast %reshape3A_312 : vector<256x16x1xf32> to vector<256x16x256xf32>
    %mul3A_318 = arith.mulf %get3A_316, %mul3A_317 : vector<256x16x256xf32>
    %reduce_sum3A_319 = arith.constant dense<0.000000e+00> : vector<256x256xf32>
    %reduce_sum3A_320 = vector.multi_reduction <add>, %mul3A_318, %reduce_sum3A_319 [1] : vector<256x16x256xf32> to vector<256x256xf32>
    %get3A_321 = arith.constant 3 : index
    %get3A_322 = arith.constant 0 : index
    %get3A_323 = vector.load %arg13[%get3A_321, %get3A_322] : memref<4x256xf32, #tpu.memory_space<vmem>>, vector<1x256xf32>
    %get3A_324 = vector.shape_cast %get3A_323 : vector<1x256xf32> to vector<256xf32>
    %reshape3A_325 = vector.shape_cast %get3A_324 : vector<256xf32> to vector<1x256xf32>
    %add3A_326 = vector.broadcast %reshape3A_325 : vector<1x256xf32> to vector<256x256xf32>
    %add3A_327 = arith.addf %reduce_sum3A_320, %add3A_326 : vector<256x256xf32>
    %mul3A_328 = arith.mulf %div3A_311, %max3A_116 : vector<256x16xf32>
    %reduce_sum3A_329 = arith.constant dense<0.000000e+00> : vector<256xf32>
    %reduce_sum3A_330 = vector.multi_reduction <add>, %mul3A_328, %reduce_sum3A_329 [1] : vector<256x16xf32> to vector<256xf32>
    %broadcast_in_dim3A_331 = vector.shape_cast %reduce_sum3A_330 : vector<256xf32> to vector<256x1xf32>
    %get3A_332 = arith.constant 0 : index
    %get3A_333 = arith.constant 0 : index
    %get3A_334 = vector.load %arg13[%get3A_332, %get3A_333] : memref<4x256xf32, #tpu.memory_space<vmem>>, vector<1x256xf32>
    %get3A_335 = vector.shape_cast %get3A_334 : vector<1x256xf32> to vector<256xf32>
    %reshape3A_336 = vector.shape_cast %get3A_335 : vector<256xf32> to vector<1x256xf32>
    %mul3A_337 = vector.broadcast %broadcast_in_dim3A_331 : vector<256x1xf32> to vector<256x256xf32>
    %mul3A_338 = vector.broadcast %reshape3A_336 : vector<1x256xf32> to vector<256x256xf32>
    %mul3A_339 = arith.mulf %mul3A_337, %mul3A_338 : vector<256x256xf32>
    %add3A_340 = arith.addf %add3A_327, %mul3A_339 : vector<256x256xf32>
    %mul3A_341 = arith.mulf %div3A_311, %max3A_193 : vector<256x16xf32>
    %reduce_sum3A_342 = arith.constant dense<0.000000e+00> : vector<256xf32>
    %reduce_sum3A_343 = vector.multi_reduction <add>, %mul3A_341, %reduce_sum3A_342 [1] : vector<256x16xf32> to vector<256xf32>
    %broadcast_in_dim3A_344 = vector.shape_cast %reduce_sum3A_343 : vector<256xf32> to vector<256x1xf32>
    %get3A_345 = arith.constant 1 : index
    %get3A_346 = arith.constant 0 : index
    %get3A_347 = vector.load %arg13[%get3A_345, %get3A_346] : memref<4x256xf32, #tpu.memory_space<vmem>>, vector<1x256xf32>
    %get3A_348 = vector.shape_cast %get3A_347 : vector<1x256xf32> to vector<256xf32>
    %reshape3A_349 = vector.shape_cast %get3A_348 : vector<256xf32> to vector<1x256xf32>
    %mul3A_350 = vector.broadcast %broadcast_in_dim3A_344 : vector<256x1xf32> to vector<256x256xf32>
    %mul3A_351 = vector.broadcast %reshape3A_349 : vector<1x256xf32> to vector<256x256xf32>
    %mul3A_352 = arith.mulf %mul3A_350, %mul3A_351 : vector<256x256xf32>
    %add3A_353 = arith.addf %add3A_340, %mul3A_352 : vector<256x256xf32>
    %mul3A_354 = arith.mulf %div3A_311, %max3A_270 : vector<256x16xf32>
    %reduce_sum3A_355 = arith.constant dense<0.000000e+00> : vector<256xf32>
    %reduce_sum3A_356 = vector.multi_reduction <add>, %mul3A_354, %reduce_sum3A_355 [1] : vector<256x16xf32> to vector<256xf32>
    %broadcast_in_dim3A_357 = vector.shape_cast %reduce_sum3A_356 : vector<256xf32> to vector<256x1xf32>
    %get3A_358 = arith.constant 2 : index
    %get3A_359 = arith.constant 0 : index
    %get3A_360 = vector.load %arg13[%get3A_358, %get3A_359] : memref<4x256xf32, #tpu.memory_space<vmem>>, vector<1x256xf32>
    %get3A_361 = vector.shape_cast %get3A_360 : vector<1x256xf32> to vector<256xf32>
    %reshape3A_362 = vector.shape_cast %get3A_361 : vector<256xf32> to vector<1x256xf32>
    %mul3A_363 = vector.broadcast %broadcast_in_dim3A_357 : vector<256x1xf32> to vector<256x256xf32>
    %mul3A_364 = vector.broadcast %reshape3A_362 : vector<1x256xf32> to vector<256x256xf32>
    %mul3A_365 = arith.mulf %mul3A_363, %mul3A_364 : vector<256x256xf32>
    %add3A_366 = arith.addf %add3A_353, %mul3A_365 : vector<256x256xf32>
    %swap3A = arith.constant 0 : index
    %swap3A_367 = arith.constant 0 : index
    %swap3A_368 = vector.load %arg15[%swap3A, %swap3A_367] : memref<256x256xf32, #tpu.memory_space<vmem>>, vector<256x256xf32>
    tpu.vector_store %arg15[%swap3A, %swap3A_367], %add3A_366 {strides = array<i32>} : memref<256x256xf32, #tpu.memory_space<vmem>>, vector<256x256xf32>,
    return
  }
  func.func @transform_0(%arg0: i32) -> (i32, i32, i32) {
    %c0_i32 = arith.constant 0 : i32
    %c0_i32_0 = arith.constant 0 : i32
    %c0_i32_1 = arith.constant 0 : i32
    return %arg0, %c0_i32, %c0_i32_0 : i32, i32, i32
  }
  func.func @transform_1(%arg0: i32) -> (i32, i32, i32) {
    %c0_i32 = arith.constant 0 : i32
    %c0_i32_0 = arith.constant 0 : i32
    %c0_i32_1 = arith.constant 0 : i32
    return %arg0, %c0_i32, %c0_i32_0 : i32, i32, i32
  }
  func.func @transform_2(%arg0: i32) -> (i32, i32, i32) {
    %c0_i32 = arith.constant 0 : i32
    %c0_i32_0 = arith.constant 0 : i32
    %c0_i32_1 = arith.constant 0 : i32
    return %arg0, %c0_i32, %c0_i32_0 : i32, i32, i32
  }
  func.func @transform_3(%arg0: i32) -> (i32, i32) {
    %c0_i32 = arith.constant 0 : i32
    %c0_i32_0 = arith.constant 0 : i32
    return %arg0, %c0_i32 : i32, i32
  }
  func.func @transform_4(%arg0: i32) -> (i32, i32) {
    %c0_i32 = arith.constant 0 : i32
    %c0_i32_0 = arith.constant 0 : i32
    return %arg0, %c0_i32 : i32, i32
  }
  func.func @transform_5(%arg0: i32) -> (i32, i32) {
    %c0_i32 = arith.constant 0 : i32
    %c0_i32_0 = arith.constant 0 : i32
    return %arg0, %c0_i32 : i32, i32
  }
  func.func @transform_6(%arg0: i32) -> (i32, i32) {
    %c0_i32 = arith.constant 0 : i32
    %c0_i32_0 = arith.constant 0 : i32
    return %arg0, %c0_i32 : i32, i32
  }
  func.func @transform_7(%arg0: i32) -> (i32, i32) {
    %c0_i32 = arith.constant 0 : i32
    %c0_i32_0 = arith.constant 0 : i32
    %c0_i32_1 = arith.constant 0 : i32
    return %c0_i32, %c0_i32_0 : i32, i32
  }
  func.func @transform_8(%arg0: i32) -> (i32, i32) {
    %c0_i32 = arith.constant 0 : i32
    %c0_i32_0 = arith.constant 0 : i32
    %c0_i32_1 = arith.constant 0 : i32
    return %c0_i32, %c0_i32_0 : i32, i32
  }
  func.func @transform_9(%arg0: i32) -> i32 {
    %c0_i32 = arith.constant 0 : i32
    %c0_i32_0 = arith.constant 0 : i32
    return %c0_i32 : i32
  }
  func.func @transform_10(%arg0: i32) -> i32 {
    %c0_i32 = arith.constant 0 : i32
    %c0_i32_0 = arith.constant 0 : i32
    return %c0_i32 : i32
  }
  func.func @transform_11(%arg0: i32) -> i32 {
    %c0_i32 = arith.constant 0 : i32
    %c0_i32_0 = arith.constant 0 : i32
    return %c0_i32 : i32
  }
  func.func @transform_12(%arg0: i32) -> (i32, i32) {
    %c0_i32 = arith.constant 0 : i32
    %c0_i32_0 = arith.constant 0 : i32
    %c0_i32_1 = arith.constant 0 : i32
    return %c0_i32, %c0_i32_0 : i32, i32
  }
  func.func @transform_13(%arg0: i32) -> (i32, i32) {
    %c0_i32 = arith.constant 0 : i32
    %c0_i32_0 = arith.constant 0 : i32
    %c0_i32_1 = arith.constant 0 : i32
    return %c0_i32, %c0_i32_0 : i32, i32
  }
  func.func @transform_14(%arg0: i32) -> (i32, i32) {
    %c0_i32 = arith.constant 0 : i32
    %c0_i32_0 = arith.constant 0 : i32
    return %arg0, %c0_i32 : i32, i32
  }
}

</mosaic_0001>

<sc_bundles>
// kernel: kernel.7.cloned.1.call-start
scs
__scs_entry_jumppad:
0x0: {  	(pc) =	sbr.rel $0x88, $3  }
0x1: {  	(tag) =	ssettag $0x0;
	lr =	simm.s32 $0x1  }
0x2: {  	[smem:$0x3F93] =	sst lr;
	_ =	strace $0xD0000000  }
0x3: {  	_ = 	snop  }
0x4: {  	_ = 	snop  }
0x5: {  	_ = 	snop  }
0x6: {  	_ = 	snop  }
0x7: {  	_ = 	snop  }
__scs_overlays_trampoline_lowered:
0x8: {  	[smem:$0x3FA2] =	sst s0  }
0x9: {  	[smem:$0x3FA3] =	sst s1  }
0xa: {  	[smem:$0x3FA4] =	sst s2  }
0xb: {  	[smem:$0x3FA5] =	sst s3  }
0xc: {  	[smem:$0x3FA6] =	sst s4  }
0xd: {  	[smem:$0x3FA7] =	sst s5  }
0xe: {  	[smem:$0x3FA8] =	sst s6  }
0xf: {  	[smem:$0x3FA9] =	sst s7  }
0x10: {  	[smem:$0x3FAA] =	sst s8  }
0x11: {  	[smem:$0x3FAB] =	sst s9;
	s0 =	simm.s32 @!p0 $0x0  }
0x12: {  	s1 =	sld [smem:$0x3F91];
	s0 =	simm.s32 @p0 $0x1  }
0x13: {  	[smem:$0x3FAC] =	sst s0;
	s0 =	simm.s32 @!p1 $0x0  }
0x14: {  	s2 =	sld [smem:$0x3F90];
	s0 =	simm.s32 @p1 $0x1  }
0x15: {  	[smem:$0x3FAD] =	sst s0;
	s0 =	simm.s32 @!p2 $0x0  }
0x16: {  	s3 =	sld [smem:$0x3FDB];
	s0 =	simm.s32 @p2 $0x1  }
0x17: {  	s4 =	simm.s32 $0x1BF5;
	[smem:$0x3FAF] =	sst s0  }
0x18: {  	s0 =	sld [smem:$0x3F92];
	_ =	swait.ge [sflag:s4], $0x0  }
0x19: {  	s7 =	sld [smem:$0x3F93]  }
0x1a: {  	s8 =	sadd.s32 $0xFFFFE003, lr  }
0x1b: {  	s9 =	sadd.s32 $0xFFFFFEF7, lr;
	s5 =	simm.s32 $0xFFFFFFFF;
	p2 =	slt.u32 s8, $0xFFFFF086  }
0x1c: {  	p1 =	slt.u32 s9, $0xF7A;
	s5 =	simm.s32 @!p2 $0x0  }
0x1d: {  	s5 =	simm.s32 @p1 $0x1;
	p0 =	seq.s32 s7, s2  }
0x1e: {  	s7 =	smul.u32 @!p0 $0xF7A, s2;
	p2 =	seq.s32 @!p0 s5, $0x0  }
0x1f: {  	s9 =	smul.u32 $0xF7A, s1;
	s8 =	simm.s32 @!p0 $0x1BF5;
	p2 =	por !p2, p0  }
0x20: {  	[sflag:s8] =	ssyncset.s32 @!p0 $0xFFFFF086;
	s6 =	sadd.s32 @!p0 s3, s7;
	s7 =	simm.s32 @!p0 $0x108  }
0x21: {  	s3 =	sadd.s32 s3, s9;
	s6 =	sadd.s32 @!p0 $0x88, s6;
	s7 =	simm.s32 @p2 $0x1082  }
0x22: {  	[simem:s7], [sflag:s8] =	dma.local @!p0 [hbm:s6], $0xF7A  }
0x23: {  	s9 =	sor.u32 $0xD0000000, s2;
	s6 =	simm.s32 $0x108;
	_ =	swait.ge @!p0 [sflag:s8], $0x0  }
0x24: {  	s3 =	sadd.s32 $0x88, s3;
	s6 =	simm.s32 @!p1 $0x1082;
	[sflag:s4] =	ssyncset.s32 $0xFFFFF086  }
0x25: {  	[simem:s6], [sflag:s4] =	dma.local [hbm:s3], $0xF7A  }
0x26: {  	[smem:$0x3F93] =	sst s1;
	(tag) =	ssettag s2;
	_ =	strace s9  }
0x27: {  	s1 =	sld [smem:$0x3FA3]  }
0x28: {  	s2 =	sld [smem:$0x3FA4]  }
0x29: {  	s4 =	sld [smem:$0x3FA6]  }
0x2a: {  	p0 =	seq.s32 s5, $0x0;
	s5 =	sld [smem:$0x3FA7]  }
0x2b: {  	s6 =	sld [smem:$0x3FA8]  }
0x2c: {  	s7 =	sld [smem:$0x3FA9]  }
0x2d: {  	s3 =	simm.s32 $0x108;
	s8 =	sld [smem:$0x3FAA]  }
0x2e: {  	s3 =	simm.s32 @!p0 $0x1082;
	s9 =	sld [smem:$0x3FAB]  }
0x2f: {  	lr =	sadd.s32 s0, s3;
	s0 =	sld [smem:$0x3FA2]  }
0x30: {  	s3 =	sld [smem:$0x3FA5]  }
0x31: {  	[smem:$0x3FAE] =	sst s10  }
0x32: {  	s10 =	sld [smem:$0x3FAC];
	_ =	sdelay $0x3  }
0x33: {  	p0 =	seq.s32 s10, $0x1;
	s10 =	sld [smem:$0x3FAE];
	_ =	sdelay $0x3  }
0x34: {  	[smem:$0x3FAE] =	sst s10  }
0x35: {  	s10 =	sld [smem:$0x3FAD];
	_ =	sdelay $0x3  }
0x36: {  	p1 =	seq.s32 s10, $0x1;
	s10 =	sld [smem:$0x3FAE];
	_ =	sdelay $0x3  }
0x37: {  	[smem:$0x3FAE] =	sst s10  }
0x38: {  	s10 =	sld [smem:$0x3FAF]  }
0x39: {  	_ = 	snop;
	(pc) =	sbr.ind lr, $3  }
0x3a: {  	_ = 	snop  }
0x3b: {  	_ = 	snop  }
0x3c: {  	p2 =	seq.s32 s10, $0x1;
	s10 =	sld [smem:$0x3FAE]  }
0x3d: {  	_ =	shalt  }
0x3e: {  	_ =	shalt  }
0x3f: {  	_ =	shalt  }
0x40: {  	_ =	shalt  }
0x41: {  	_ =	shalt  }
0x42: {  	_ =	shalt  }
0x43: {  	_ =	shalt  }
0x44: {  	_ =	shalt  }
0x45: {  	_ =	shalt  }
0x46: {  	_ =	shalt  }
0x47: {  	_ =	shalt  }
0x48: {  	_ =	shalt  }
0x49: {  	_ =	shalt  }
0x4a: {  	_ =	shalt  }
0x4b: {  	_ =	shalt  }
0x4c: {  	_ =	shalt  }
0x4d: {  	_ =	shalt  }
0x4e: {  	_ =	shalt  }
0x4f: {  	_ =	shalt  }
0x50: {  	_ =	shalt  }
0x51: {  	_ =	shalt  }
0x52: {  	_ =	shalt  }
0x53: {  	_ =	shalt  }
0x54: {  	_ =	shalt  }
0x55: {  	_ =	shalt  }
0x56: {  	_ =	shalt  }
0x57: {  	_ =	shalt  }
0x58: {  	_ =	shalt  }
0x59: {  	_ =	shalt  }
0x5a: {  	_ =	shalt  }
0x5b: {  	_ =	shalt  }
0x5c: {  	_ =	shalt  }
0x5d: {  	_ =	shalt  }
0x5e: {  	_ =	shalt  }
0x5f: {  	_ =	shalt  }
0x60: {  	_ =	shalt  }
0x61: {  	_ =	shalt  }
0x62: {  	_ =	shalt  }
0x63: {  	_ =	shalt  }
0x64: {  	_ =	shalt  }
0x65: {  	_ =	shalt  }
0x66: {  	_ =	shalt  }
0x67: {  	_ =	shalt  }
0x68: {  	_ =	shalt  }
0x69: {  	_ =	shalt  }
0x6a: {  	_ =	shalt  }
0x6b: {  	_ =	shalt  }
0x6c: {  	_ =	shalt  }
0x6d: {  	_ =	shalt  }
0x6e: {  	_ =	shalt  }
0x6f: {  	_ =	shalt  }
0x70: {  	_ =	shalt  }
0x71: {  	_ =	shalt  }
0x72: {  	_ =	shalt  }
0x73: {  	_ =	shalt  }
0x74: {  	_ =	shalt  }
0x75: {  	_ =	shalt  }
0x76: {  	_ =	shalt  }
0x77: {  	_ =	shalt  }
0x78: {  	_ =	shalt  }
0x79: {  	_ =	shalt  }
0x7a: {  	_ =	shalt  }
0x7b: {  	_ =	shalt  }
0x7c: {  	_ =	shalt  }
0x7d: {  	_ =	shalt  }
0x7e: {  	_ =	shalt  }
0x7f: {  	_ =	shalt  }
0x80: {  	_ =	shalt  }
0x81: {  	_ =	shalt  }
0x82: {  	_ =	shalt  }
0x83: {  	_ =	shalt  }
0x84: {  	_ =	shalt  }
0x85: {  	_ =	shalt  }
0x86: {  	_ =	shalt  }
0x87: {  	_ =	shalt  }
.Lfunc_end0:
.L_simem_size_0:
called_computation_lowered:
.L_overlay_start_0:
0x88: {  	s2 =	sld [smem:$0x3FD9]  }
0x89: {  	s3 =	sld [smem:$0x3FFE];
	_ =	sdelay $0x1  }
0x8a: {  	s1 =	srdreg.scid  }
0x8b: {  	s0 =	sand.u32 $0x1, s1  }
0x8c: {  	s17 =	sshll.u32 s0, $0xA;
	s2 =	sadd.s32 s3, s2  }
0x8d: {  	s2 =	sadd.s32 s2, s17  }
0x8e: {  	[smem:$0x3FBA] =	sst s2  }
0x8f: {  	_ = 	snop  }
0x90: {  	s2 =	sld [smem:$0x3FD0];
	(tm) =	ssettm $0x1  }
0x91: {  	s18 =	sld [smem:$0x3FFB];
	_ =	sdelay $0x3  }
0x92: {  	_ =	strace s18  }
0x93: {  	s3 =	sld [smem:$0x3FFC];
	_ =	sdelay $0x3  }
0x94: {  	_ =	strace s3  }
0x95: {  	s3 =	sld [smem:$0x3FFD];
	_ =	sdelay $0x3  }
0x96: {  	_ =	strace s3  }
0x97: {  	_ =	strace $0x8FFFFFFF  }
0x98: {  	s19 =	sld [smem:$0x3FDB];
	_ =	sdelay $0x1  }
0x99: {  	s4 =	simm.s32 $_scs_section_size  }
0x9a: {  	s5 =	simm.s32 $_size__tile_overlayer_lowered;
	s6 =	simm.s32 $_tile_overlayer_lowered  }
0x9b: {  	s22 =	simm.s32 $0x1BFF;
	s21 =	sshll.u32 s6, $0x1;
	s3 =	sadd.s32 s4, s19  }
0x9c: {  	s7 =	simm.s32 $0x0;
	s20 =	sshll.u32 s5, $0x1;
	s5 =	sadd.s32 s21, s3  }
0x9d: {  	[timem:s7], [sflag:s22] =	dma.local [hbm:s5], s20  }
0x9e: {  	_ =	swait.ge [sflag:s22], s20  }
0x9f: {  	s4 =	ssub.s32 $0x0, s20;
	[sflag:s22] =	ssyncset.done $0x0  }
0xa0: {  	[sflag:s22] =	ssyncadd.s32 s4;
	_ =	sdelay $0x1  }
0xa1: {  	s23 =	simm.s32 $0x1B8B  }
0xa2: {  	_ =	swait.ge [sflag:s23], $0x1  }
0xa3: {  	[sflag:s23] =	ssyncset.done $0x0  }
0xa4: {  	s25 =	simm.s32 $0x1B8E;
	s24 =	sld [smem:$0x3FFE];
	[sflag:s23] =	ssyncadd.s32 $0xFFFFFFFF  }
0xa5: {  	s26 =	simm.s32 $execute0_lowered;
	[smem:$0x3FD2] =	sst s25  }
0xa6: {  	s5 =	sshll.u32 s26, $0x1;
	_ =	strace $0x80000046;
	[dreg:$0x1] =	wrdreg $0xFFFFFFFF  }
0xa7: {  	s28 =	simm.s32 $_size_execute0_lowered;
	s3 =	sadd.s32 s3, s5;
	[dreg:$0x0] =	wrdreg $0x0  }
0xa8: {  	s5 =	sshll.u32 s28, $0x1;
	[dreg:$0x2] =	wrdreg s3  }
0xa9: {  	[dreg:$0x3] =	wrdreg s5  }
0xaa: {  	[dreg:$0x4] =	wrdreg $0xC0  }
0xab: {  	_ =	task [dreg:s7], $0x5FFFF  }
0xac: {  	[dreg:$0x1] =	wrdreg $0xFFFFFFFF  }
0xad: {  	[dreg:$0x0] =	wrdreg $0x60  }
0xae: {  	[dreg:$0x2] =	wrdreg s24  }
0xaf: {  	[dreg:$0x3] =	wrdreg s2  }
0xb0: {  	[dreg:$0x4] =	wrdreg $0x100800  }
0xb1: {  	[dreg:$0x5] =	wrdreg $0x102800  }
0xb2: {  	[dreg:$0x6] =	wrdreg $0x104800  }
0xb3: {  	[dreg:$0x7] =	wrdreg $0x9  }
0xb4: {  	_ =	task.clear_ibuf [dreg:s7], $0x8FFFF;
	_ =	strace $0x90000046  }
0xb5: {  	s29 =	simm.s32 $0x9;
	_ =	strace $0x80000048  }
0xb6: {  	_ =	swait.ge [sflag:s29], $0x1  }
0xb7: {  	[sflag:s29] =	ssyncadd.s32 $0xFFFFFFFF  }
0xb8: {  	_ =	strace $0x90000048  }
0xb9: {  	_ =	sfence  }
0xba: {  	s30 =	sld [smem:$0x0];
	_ =	sdelay $0x2  }
0xbb: {  	s31 =	sshll.u32 s1, $0xD;
	s1 =	sshrl.u32 s1, $0x2  }
0xbc: {  	s3 =	sand.u32 $0x4000, s31;
	s1 =	sadd.s32 s1, s30  }
0xbd: {  	s0 =	sor.u32 s3, s0;
	s1 =	sshll.u32 s1, $0x11  }
0xbe: {  	s0 =	sor.u32 s1, s0  }
0xbf: {  	s0 =	sadd.s32 $0x8F2B, s0  }
0xc0: {  	[sflag:s0] =	ssyncadd.remote.s32 $0x1  }
0xc1: {  	_ =	sfence.sel $0xFFFF  }
0xc2: {  	[dreg:$0x0] =	wrdreg $0xFFFFFFFF;
	(pc) =	sbr.abs _section_cstart, $3  }
0xc3: {  	[dreg:$0x1] =	wrdreg $0xFFFFFFFF  }
0xc4: {  	_ =	task.clear_ibuf [dreg:s7], $0x2FFFF;
	_ =	strace $0x9FFFFFFF  }
0xc5: {  	(tm) =	ssettm $0x7FFFFFFF  }
tec
execute0_lowered:
.L_overlay_start_1:
0x0: {  	(tag) =	ssettag $0x1  }
0x1: {  	s7 =	rddreg [dreg:$0x0]  }
0x2: {  	s0 =	rddreg [dreg:$0x1];
	s3 =	srdreg.scid  }
0x3: {  	s1 =	rddreg [dreg:$0x2];
	s2 =	stileid.u32;
	s8 =	sand.u32 $0x1, s3  }
0x4: {  	s4 =	rddreg [dreg:$0x4];
	s5 =	sshll.u32 s2, $0xD;
	s6 =	sshll.u32 s8, $0xC  }
0x5: {  	s3 =	rddreg [dreg:$0x3];
	s6 =	sor.u32 s6, s5;
	s5 =	simm.s32 $0x0  }
0x6: {  	s12 =	simm.s32 $0x880;
	[smem:$0x7FF] =	sst s5  }
0x7: {  	s13 =	simm.s32 $0x1080;
	_ =	strace $0x80000047;
	[dreg:$0xa] =	wrdreg s12  }
0x8: {  	s14 =	simm.s32 $0x1880;
	[dreg:$0xb] =	wrdreg s13  }
0x9: {  	s15 =	simm.s32 $0x2080;
	[dreg:$0xc] =	wrdreg s14  }
0xa: {  	s16 =	simm.s32 $0x2880;
	[dreg:$0xd] =	wrdreg s15  }
0xb: {  	s18 =	sadd.s32 $0x3000, s7;
	[dreg:$0xe] =	wrdreg s16  }
0xc: {  	s17 =	simm.s32 $0x3080;
	[smem:$0x7F6] =	sst s18  }
0xd: {  	s20 =	sadd.s32 $0x2C00, s7;
	[dreg:$0xf] =	wrdreg s17  }
0xe: {  	s19 =	simm.s32 $0x3880;
	[smem:$0x7F7] =	sst s20  }
0xf: {  	s21 =	simm.s32 $0x4080;
	s23 =	simm.s32 $0x4880;
	[dreg:$0x10] =	wrdreg s19  }
0x10: {  	s24 =	simm.s32 $0x5080;
	s26 =	simm.s32 $0x5880;
	[dreg:$0x11] =	wrdreg s21  }
0x11: {  	s28 =	simm.s32 $0x1;
	s29 =	simm.s32 $0x2;
	[dreg:$0x12] =	wrdreg s23  }
0x12: {  	s30 =	simm.s32 $0x3;
	s31 =	simm.s32 $0x4;
	[dreg:$0x13] =	wrdreg s24  }
0x13: {  	s22 =	sshll.u32 s2, $0x12;
	[dreg:$0x14] =	wrdreg s26;
	s12 =	simm.s32 $0x6080  }
0x14: {  	p0 =	sne.s32 s2, $0x0;
	s13 =	simm.s32 $0x6880;
	[dreg:$0x15] =	wrdreg s12  }
0x15: {  	s2 =	simm.s32 $0x5;
	s14 =	simm.s32 $0x7080;
	[dreg:$0x16] =	wrdreg s13  }
0x16: {  	s25 =	ssub.s32 $0x2, s8;
	s15 =	simm.s32 $0x7880;
	[dreg:$0x17] =	wrdreg s14  }
0x17: {  	s8 =	sshll.u32 s8, $0x11;
	s16 =	simm.s32 $0x8880;
	[dreg:$0x18] =	wrdreg s15  }
0x18: {  	s6 =	sshrl.u32 s6, $0x3;
	s18 =	simm.s32 $0x9080;
	[dreg:$0x19] =	wrdreg s16  }
0x19: {  	s6 =	sadd.s32 s6, s7;
	s19 =	simm.s32 $0x9880;
	[dreg:$0x1a] =	wrdreg s18  }
0x1a: {  	s20 =	simm.s32 $0xA080;
	s21 =	simm.s32 $0xA880;
	[dreg:$0x1b] =	wrdreg s19  }
0x1b: {  	s23 =	simm.s32 $0xB880;
	s24 =	simm.s32 $0xC080;
	[dreg:$0x1c] =	wrdreg s20  }
0x1c: {  	s26 =	simm.s32 $0xD080;
	s9 =	sadd.s32 $0x4F800, s6;
	[dreg:$0x1d] =	wrdreg s21  }
0x1d: {  	s10 =	sadd.s32 $0x4B800, s6;
	s11 =	sadd.s32 $0x47800, s6;
	[dreg:$0x1f] =	wrdreg s23  }
0x1e: {  	s6 =	sadd.s32 $0x3800, s6;
	s13 =	sshrl.u32 @!p0 s1, $0x3;
	[smem:$0x7FB] =	sst s24  }
0x1f: {  	s14 =	sshrl.u32 @!p0 s3, $0x3;
	s15 =	sshrl.u32 @!p0 s4, $0x3;
	[smem:$0x7FD] =	sst s26  }
0x20: {  	s16 =	simm.s32 $0x6;
	s18 =	simm.s32 $0x8080;
	[dreg:$0x6] =	wrdreg s9  }
0x21: {  	s19 =	simm.s32 $0xD880;
	s20 =	simm.s32 $0xE080;
	[dreg:$0x7] =	wrdreg s10  }
0x22: {  	s21 =	simm.s32 $0xE880;
	s23 =	simm.s32 $0xF880;
	[dreg:$0x8] =	wrdreg s11  }
0x23: {  	s24 =	simm.s32 $0x10680;
	s26 =	simm.s32 $0x10780;
	[dreg:$0x9] =	wrdreg s6  }
0x24: {  	s6 =	sadd.s32 $0x7800, s7;
	s10 =	sadd.s32 $0x3400, s7;
	s7 =	sadd.s32 s22, s7  }
0x25: {  	s11 =	sshrl.u32 s25, $0x1;
	s22 =	simm.s32 $0xB080;
	[smem:$0x7F5] =	sst s10  }
0x26: {  	s10 =	ssub.s32 s25, s11;
	[dreg:$0x1e] =	wrdreg s22;
	s25 =	simm.s32 $0xC880  }
0x27: {  	s7 =	sadd.s32 s8, s7;
	s10 =	smax.u32 s10, $0x1;
	[smem:$0x7FC] =	sst s25  }
0x28: {  	v2 =	vlaneseq.u32;
	s22 =	simm.s32 $0xF080;
	s17 =	sadd.s32 $0x53800, s7;
	[smem:$0x7F8] =	sst s10  }
0x29: {  	vm0 =	vmmov $0xffff;
	v1 =	vshrl.u32 v2, $0x3;
	s7 =	sadd.s32 $0x453800, s7;
	s25 =	simm.s32 $0x10700;
	[smem:$0x7F9] =	sst s17  }
0x2a: {  	v0 =	vand.u32 $0x7, v2;
	v2 =	vor.u32 $0x8, v2;
	v1 =	vmul.u32 $0x8, v1;
	[smem:$0x7FA] =	sst s7;
	s17 =	simm.s32 $0x80;
	s7 =	simm.s32 $0x0  }
.LBB2_1:
0x2b: {  	s8 =	sld [smem:$0x7F5];
	_ =	sdelay $0x1  }
0x2c: {  	s10 =	simm.s32 @!p0 $0x1C06;
	s11 =	simm.s32 @!p0 $0x6  }
0x2d: {  	[spmem:s13], [sflag:s10] =	dma.local @!p0 [hbm:s8], $0x400  }
0x2e: {  	_ =	swait.ge @!p0 [sflag:s11], $0x400  }
0x2f: {  	s8 =	sld [smem:$0x7F6]  }
0x30: {  	[sflag:s11] =	ssyncset.done @!p0 $0x0  }
0x31: {  	[sflag:s11] =	ssyncadd.s32 @!p0 $0xFFFFFC00  }
0x32: {  	[spmem:s14], [sflag:s10] =	dma.local @!p0 [hbm:s8], $0x400  }
0x33: {  	_ =	swait.ge @!p0 [sflag:s11], $0x400  }
0x34: {  	s8 =	sld [smem:$0x7F7]  }
0x35: {  	[sflag:s11] =	ssyncset.done @!p0 $0x0  }
0x36: {  	[sflag:s11] =	ssyncadd.s32 @!p0 $0xFFFFFC00  }
0x37: {  	[spmem:s15], [sflag:s10] =	dma.local @!p0 [hbm:s8], $0x400  }
0x38: {  	_ =	swait.ge @!p0 [sflag:s11], $0x400  }
0x39: {  	[sflag:s11] =	ssyncset.done @!p0 $0x0  }
0x3a: {  	[sflag:s11] =	ssyncadd.s32 @!p0 $0xFFFFFC00  }
0x3b: {  	[bflag:$0x0] =	sbarrier.arrive $0xFFFF  }
0x3c: {  	s12 =	sld [smem:$0x7FA]  }
0x3d: {  	s10 =	simm.s32 $0x0;
	s11 =	sld [smem:$0x7F9]  }
.LBB2_2:
0x3e: {  	s9 =	rddreg [dreg:$0x9]  }
0x3f: {  	s9 =	sadd.s32 s10, s9  }
0x40: {  	[tilespmem:s5], [sflag:$0x6] =	stream.linear.gather [hbm4b:s9+s5], $0x80, $0x38;
	[tilespmem:$0x10800] =	vst v63  }
0x41: {  	_ =	swait.ge [sflag:s16], $0x80  }
0x42: {  	[sflag:s16] =	ssyncset.done $0x0  }
0x43: {  	[sflag:s16] =	ssyncadd.s32 $0xFFFFFF80  }
0x44: {  	v3 =	vld [tilespmem:$0x0];
	_ =	sdelay $0x4  }
0x45: {  	v4 =	vshll.u32 v3, $0x1  }
0x46: {  	v3 =	vand.u32 $0x7, v3;
	v4 =	vand.u32 $0xFFFFFFF0, v4  }
0x47: {  	v3 =	vor.u32 v3, v4  }
0x48: {  	v4 =	vperm.xlane v3, v0;
	_ =	sdelay $0x1  }
0x49: {  	v3 =	vperm.xlane v3, v2;
	v4 =	vadd.s32 v1, v4;
	_ =	sdelay $0x1  }
0x4a: {  	v3 =	vadd.s32 v1, v3;
	_ =	sdelay $0x2  }
0x4b: {  	[tilespmem:s17], [sflag:$0x1] =	stream.indirect_vreg.gather [hbm4b:s6+s5], $0x80, v4, vm0, $0xb8;
	[tilespmem:$0x10800] =	vst v63  }
0x4c: {  	s8 =	rddreg [dreg:$0xa]  }
0x4d: {  	[tilespmem:s8], [sflag:$0x1] =	stream.indirect_vreg.gather [hbm4b:s6+s5], $0x80, v3, vm0, $0xb8;
	[tilespmem:$0x10800] =	vst v63  }
0x4e: {  	v3 =	vld [tilespmem:$0x10];
	_ =	sdelay $0x4  }
0x4f: {  	v49 =	vshll.u32 v3, $0x1  }
0x50: {  	v3 =	vand.u32 $0x7, v3;
	v4 =	vand.u32 $0xFFFFFFF0, v49  }
0x51: {  	v3 =	vor.u32 v3, v4  }
0x52: {  	v4 =	vperm.xlane v3, v0;
	_ =	sdelay $0x1  }
0x53: {  	v3 =	vperm.xlane v3, v2;
	v4 =	vadd.s32 v1, v4;
	_ =	sdelay $0x1  }
0x54: {  	v3 =	vadd.s32 v1, v3;
	_ =	sdelay $0x1  }
0x55: {  	s9 =	rddreg [dreg:$0xb]  }
0x56: {  	[tilespmem:s9], [sflag:$0x1] =	stream.indirect_vreg.gather [hbm4b:s6+s5], $0x80, v4, vm0, $0xb8;
	[tilespmem:$0x10800] =	vst v63  }
0x57: {  	s8 =	rddreg [dreg:$0xc]  }
0x58: {  	[tilespmem:s8], [sflag:$0x1] =	stream.indirect_vreg.gather [hbm4b:s6+s5], $0x80, v3, vm0, $0xb8;
	[tilespmem:$0x10800] =	vst v63  }
0x59: {  	v3 =	vld [tilespmem:$0x20];
	_ =	sdelay $0x4  }
0x5a: {  	v50 =	vshll.u32 v3, $0x1  }
0x5b: {  	v3 =	vand.u32 $0x7, v3;
	v4 =	vand.u32 $0xFFFFFFF0, v50  }
0x5c: {  	v3 =	vor.u32 v3, v4  }
0x5d: {  	v4 =	vperm.xlane v3, v0;
	_ =	sdelay $0x1  }
0x5e: {  	v3 =	vperm.xlane v3, v2;
	v4 =	vadd.s32 v1, v4;
	_ =	sdelay $0x1  }
0x5f: {  	v3 =	vadd.s32 v1, v3;
	_ =	sdelay $0x1  }
0x60: {  	s8 =	rddreg [dreg:$0xd]  }
0x61: {  	[tilespmem:s8], [sflag:$0x1] =	stream.indirect_vreg.gather [hbm4b:s6+s5], $0x80, v4, vm0, $0xb8;
	[tilespmem:$0x10800] =	vst v63  }
0x62: {  	s9 =	rddreg [dreg:$0xe]  }
0x63: {  	[tilespmem:s9], [sflag:$0x1] =	stream.indirect_vreg.gather [hbm4b:s6+s5], $0x80, v3, vm0, $0xb8;
	[tilespmem:$0x10800] =	vst v63  }
0x64: {  	v3 =	vld [tilespmem:$0x30];
	_ =	sdelay $0x4  }
0x65: {  	v51 =	vshll.u32 v3, $0x1  }
0x66: {  	v3 =	vand.u32 $0x7, v3;
	v4 =	vand.u32 $0xFFFFFFF0, v51  }
0x67: {  	v3 =	vor.u32 v3, v4  }
0x68: {  	v4 =	vperm.xlane v3, v0;
	_ =	sdelay $0x1  }
0x69: {  	v3 =	vperm.xlane v3, v2;
	v4 =	vadd.s32 v1, v4;
	_ =	sdelay $0x1  }
0x6a: {  	v3 =	vadd.s32 v1, v3;
	_ =	sdelay $0x1  }
0x6b: {  	s8 =	rddreg [dreg:$0xf]  }
0x6c: {  	[tilespmem:s8], [sflag:$0x1] =	stream.indirect_vreg.gather [hbm4b:s6+s5], $0x80, v4, vm0, $0xb8;
	[tilespmem:$0x10800] =	vst v63  }
0x6d: {  	s9 =	rddreg [dreg:$0x10]  }
0x6e: {  	[tilespmem:s9], [sflag:$0x1] =	stream.indirect_vreg.gather [hbm4b:s6+s5], $0x80, v3, vm0, $0xb8;
	[tilespmem:$0x10800] =	vst v63  }
0x6f: {  	v3 =	vld [tilespmem:$0x40];
	_ =	sdelay $0x4  }
0x70: {  	v52 =	vshll.u32 v3, $0x1  }
0x71: {  	v3 =	vand.u32 $0x7, v3;
	v4 =	vand.u32 $0xFFFFFFF0, v52  }
0x72: {  	v3 =	vor.u32 v3, v4  }
0x73: {  	v4 =	vperm.xlane v3, v0;
	_ =	sdelay $0x1  }
0x74: {  	v3 =	vperm.xlane v3, v2;
	v4 =	vadd.s32 v1, v4;
	_ =	sdelay $0x1  }
0x75: {  	v3 =	vadd.s32 v1, v3;
	_ =	sdelay $0x1  }
0x76: {  	s8 =	rddreg [dreg:$0x11]  }
0x77: {  	[tilespmem:s8], [sflag:$0x1] =	stream.indirect_vreg.gather [hbm4b:s6+s5], $0x80, v4, vm0, $0xb8;
	[tilespmem:$0x10800] =	vst v63  }
0x78: {  	s9 =	rddreg [dreg:$0x12]  }
0x79: {  	[tilespmem:s9], [sflag:$0x1] =	stream.indirect_vreg.gather [hbm4b:s6+s5], $0x80, v3, vm0, $0xb8;
	[tilespmem:$0x10800] =	vst v63  }
0x7a: {  	v3 =	vld [tilespmem:$0x50];
	_ =	sdelay $0x4  }
0x7b: {  	v53 =	vshll.u32 v3, $0x1  }
0x7c: {  	v3 =	vand.u32 $0x7, v3;
	v4 =	vand.u32 $0xFFFFFFF0, v53  }
0x7d: {  	v3 =	vor.u32 v3, v4  }
0x7e: {  	v4 =	vperm.xlane v3, v0;
	_ =	sdelay $0x1  }
0x7f: {  	v3 =	vperm.xlane v3, v2;
	v4 =	vadd.s32 v1, v4;
	_ =	sdelay $0x1  }
0x80: {  	v3 =	vadd.s32 v1, v3;
	_ =	sdelay $0x1  }
0x81: {  	s8 =	rddreg [dreg:$0x13]  }
0x82: {  	[tilespmem:s8], [sflag:$0x1] =	stream.indirect_vreg.gather [hbm4b:s6+s5], $0x80, v4, vm0, $0xb8;
	[tilespmem:$0x10800] =	vst v63  }
0x83: {  	s9 =	rddreg [dreg:$0x14]  }
0x84: {  	[tilespmem:s9], [sflag:$0x1] =	stream.indirect_vreg.gather [hbm4b:s6+s5], $0x80, v3, vm0, $0xb8;
	[tilespmem:$0x10800] =	vst v63  }
0x85: {  	v3 =	vld [tilespmem:$0x60];
	_ =	sdelay $0x4  }
0x86: {  	v54 =	vshll.u32 v3, $0x1  }
0x87: {  	v3 =	vand.u32 $0x7, v3;
	v4 =	vand.u32 $0xFFFFFFF0, v54  }
0x88: {  	v3 =	vor.u32 v3, v4  }
0x89: {  	v4 =	vperm.xlane v3, v0;
	_ =	sdelay $0x1  }
0x8a: {  	v3 =	vperm.xlane v3, v2;
	v4 =	vadd.s32 v1, v4;
	_ =	sdelay $0x1  }
0x8b: {  	v3 =	vadd.s32 v1, v3;
	_ =	sdelay $0x1  }
0x8c: {  	s8 =	rddreg [dreg:$0x15]  }
0x8d: {  	[tilespmem:s8], [sflag:$0x1] =	stream.indirect_vreg.gather [hbm4b:s6+s5], $0x80, v4, vm0, $0xb8;
	[tilespmem:$0x10800] =	vst v63  }
0x8e: {  	s9 =	rddreg [dreg:$0x16]  }
0x8f: {  	[tilespmem:s9], [sflag:$0x1] =	stream.indirect_vreg.gather [hbm4b:s6+s5], $0x80, v3, vm0, $0xb8;
	[tilespmem:$0x10800] =	vst v63  }
0x90: {  	v3 =	vld [tilespmem:$0x70];
	_ =	sdelay $0x4  }
0x91: {  	v55 =	vshll.u32 v3, $0x1  }
0x92: {  	v3 =	vand.u32 $0x7, v3;
	v4 =	vand.u32 $0xFFFFFFF0, v55  }
0x93: {  	v3 =	vor.u32 v3, v4  }
0x94: {  	v4 =	vperm.xlane v3, v0;
	_ =	sdelay $0x1  }
0x95: {  	v3 =	vperm.xlane v3, v2;
	v4 =	vadd.s32 v1, v4;
	_ =	sdelay $0x1  }
0x96: {  	v3 =	vadd.s32 v1, v3;
	_ =	sdelay $0x1  }
0x97: {  	s8 =	rddreg [dreg:$0x17]  }
0x98: {  	[tilespmem:s8], [sflag:$0x1] =	stream.indirect_vreg.gather [hbm4b:s6+s5], $0x80, v4, vm0, $0xb8;
	[tilespmem:$0x10800] =	vst v63  }
0x99: {  	s9 =	rddreg [dreg:$0x18]  }
0x9a: {  	[tilespmem:s9], [sflag:$0x1] =	stream.indirect_vreg.gather [hbm4b:s6+s5], $0x80, v3, vm0, $0xb8;
	[tilespmem:$0x10800] =	vst v63  }
0x9b: {  	v3 =	vld [tilespmem:$0x0];
	_ =	sdelay $0x4  }
0x9c: {  	v56 =	vshll.u32 v3, $0x1  }
0x9d: {  	v3 =	vand.u32 $0x7, v3;
	v4 =	vand.u32 $0xFFFFFFF0, v56  }
0x9e: {  	v3 =	vor.u32 v3, v4  }
0x9f: {  	v4 =	vperm.xlane v3, v0;
	_ =	sdelay $0x1  }
0xa0: {  	v3 =	vperm.xlane v3, v2;
	v4 =	vadd.s32 v1, v4;
	_ =	sdelay $0x1  }
0xa1: {  	v3 =	vadd.s32 v1, v3;
	_ =	sdelay $0x2  }
0xa2: {  	[tilespmem:s18], [sflag:$0x2] =	stream.indirect_vreg.gather [hbm4b:s0+s5], $0x80, v4, vm0, $0xb8;
	[tilespmem:$0x10800] =	vst v63  }
0xa3: {  	s9 =	rddreg [dreg:$0x19]  }
0xa4: {  	[tilespmem:s9], [sflag:$0x2] =	stream.indirect_vreg.gather [hbm4b:s0+s5], $0x80, v3, vm0, $0xb8;
	[tilespmem:$0x10800] =	vst v63  }
0xa5: {  	v3 =	vld [tilespmem:$0x10];
	_ =	sdelay $0x4  }
0xa6: {  	v57 =	vshll.u32 v3, $0x1  }
0xa7: {  	v3 =	vand.u32 $0x7, v3;
	v4 =	vand.u32 $0xFFFFFFF0, v57  }
0xa8: {  	v3 =	vor.u32 v3, v4  }
0xa9: {  	v4 =	vperm.xlane v3, v0;
	_ =	sdelay $0x1  }
0xaa: {  	v3 =	vperm.xlane v3, v2;
	v4 =	vadd.s32 v1, v4;
	_ =	sdelay $0x1  }
0xab: {  	v3 =	vadd.s32 v1, v3;
	_ =	sdelay $0x1  }
0xac: {  	s8 =	rddreg [dreg:$0x1a]  }
0xad: {  	[tilespmem:s8], [sflag:$0x2] =	stream.indirect_vreg.gather [hbm4b:s0+s5], $0x80, v4, vm0, $0xb8;
	[tilespmem:$0x10800] =	vst v63  }
0xae: {  	s9 =	rddreg [dreg:$0x1b]  }
0xaf: {  	[tilespmem:s9], [sflag:$0x2] =	stream.indirect_vreg.gather [hbm4b:s0+s5], $0x80, v3, vm0, $0xb8;
	[tilespmem:$0x10800] =	vst v63  }
0xb0: {  	v3 =	vld [tilespmem:$0x20];
	_ =	sdelay $0x4  }
0xb1: {  	v58 =	vshll.u32 v3, $0x1  }
0xb2: {  	v3 =	vand.u32 $0x7, v3;
	v4 =	vand.u32 $0xFFFFFFF0, v58  }
0xb3: {  	v3 =	vor.u32 v3, v4  }
0xb4: {  	v4 =	vperm.xlane v3, v0;
	_ =	sdelay $0x1  }
0xb5: {  	v3 =	vperm.xlane v3, v2;
	v4 =	vadd.s32 v1, v4;
	_ =	sdelay $0x1  }
0xb6: {  	v3 =	vadd.s32 v1, v3;
	_ =	sdelay $0x1  }
0xb7: {  	s8 =	rddreg [dreg:$0x1c]  }
0xb8: {  	[tilespmem:s8], [sflag:$0x2] =	stream.indirect_vreg.gather [hbm4b:s0+s5], $0x80, v4, vm0, $0xb8;
	[tilespmem:$0x10800] =	vst v63  }
0xb9: {  	s9 =	rddreg [dreg:$0x1d]  }
0xba: {  	[tilespmem:s9], [sflag:$0x2] =	stream.indirect_vreg.gather [hbm4b:s0+s5], $0x80, v3, vm0, $0xb8;
	[tilespmem:$0x10800] =	vst v63  }
0xbb: {  	v3 =	vld [tilespmem:$0x30];
	_ =	sdelay $0x4  }
0xbc: {  	v59 =	vshll.u32 v3, $0x1  }
0xbd: {  	v3 =	vand.u32 $0x7, v3;
	v4 =	vand.u32 $0xFFFFFFF0, v59  }
0xbe: {  	v3 =	vor.u32 v3, v4  }
0xbf: {  	v4 =	vperm.xlane v3, v0;
	_ =	sdelay $0x1  }
0xc0: {  	v3 =	vperm.xlane v3, v2;
	v4 =	vadd.s32 v1, v4;
	_ =	sdelay $0x1  }
0xc1: {  	v3 =	vadd.s32 v1, v3;
	_ =	sdelay $0x1  }
0xc2: {  	s8 =	rddreg [dreg:$0x1e]  }
0xc3: {  	[tilespmem:s8], [sflag:$0x2] =	stream.indirect_vreg.gather [hbm4b:s0+s5], $0x80, v4, vm0, $0xb8;
	[tilespmem:$0x10800] =	vst v63  }
0xc4: {  	s9 =	rddreg [dreg:$0x1f]  }
0xc5: {  	[tilespmem:s9], [sflag:$0x2] =	stream.indirect_vreg.gather [hbm4b:s0+s5], $0x80, v3, vm0, $0xb8;
	[tilespmem:$0x10800] =	vst v63  }
0xc6: {  	v3 =	vld [tilespmem:$0x40];
	_ =	sdelay $0x4  }
0xc7: {  	v60 =	vshll.u32 v3, $0x1  }
0xc8: {  	v3 =	vand.u32 $0x7, v3;
	v4 =	vand.u32 $0xFFFFFFF0, v60  }
0xc9: {  	v3 =	vor.u32 v3, v4  }
0xca: {  	v4 =	vperm.xlane v3, v0;
	_ =	sdelay $0x1  }
0xcb: {  	v3 =	vperm.xlane v3, v2;
	v4 =	vadd.s32 v1, v4;
	_ =	sdelay $0x1  }
0xcc: {  	s8 =	sld [smem:$0x7FB];
	v3 =	vadd.s32 v1, v3;
	_ =	sdelay $0x1  }
0xcd: {  	s9 =	sld [smem:$0x7FC]  }
0xce: {  	[tilespmem:s8], [sflag:$0x2] =	stream.indirect_vreg.gather [hbm4b:s0+s5], $0x80, v4, vm0, $0xb8;
	[tilespmem:$0x10800] =	vst v63  }
0xcf: {  	_ = 	snop  }
0xd0: {  	[tilespmem:s9], [sflag:$0x2] =	stream.indirect_vreg.gather [hbm4b:s0+s5], $0x80, v3, vm0, $0xb8;
	[tilespmem:$0x10800] =	vst v63  }
0xd1: {  	v3 =	vld [tilespmem:$0x50];
	_ =	sdelay $0x4  }
0xd2: {  	v61 =	vshll.u32 v3, $0x1  }
0xd3: {  	v3 =	vand.u32 $0x7, v3;
	v4 =	vand.u32 $0xFFFFFFF0, v61  }
0xd4: {  	v3 =	vor.u32 v3, v4  }
0xd5: {  	v4 =	vperm.xlane v3, v0;
	_ =	sdelay $0x1  }
0xd6: {  	v3 =	vperm.xlane v3, v2;
	v4 =	vadd.s32 v1, v4;
	_ =	sdelay $0x1  }
0xd7: {  	s9 =	sld [smem:$0x7FD];
	v3 =	vadd.s32 v1, v3;
	_ =	sdelay $0x2  }
0xd8: {  	[tilespmem:s9], [sflag:$0x2] =	stream.indirect_vreg.gather [hbm4b:s0+s5], $0x80, v4, vm0, $0xb8;
	[tilespmem:$0x10800] =	vst v63  }
0xd9: {  	_ = 	snop  }
0xda: {  	[tilespmem:s19], [sflag:$0x2] =	stream.indirect_vreg.gather [hbm4b:s0+s5], $0x80, v3, vm0, $0xb8;
	[tilespmem:$0x10800] =	vst v63  }
0xdb: {  	v3 =	vld [tilespmem:$0x60];
	_ =	sdelay $0x4  }
0xdc: {  	v62 =	vshll.u32 v3, $0x1  }
0xdd: {  	v3 =	vand.u32 $0x7, v3;
	v4 =	vand.u32 $0xFFFFFFF0, v62  }
0xde: {  	v3 =	vor.u32 v3, v4  }
0xdf: {  	v4 =	vperm.xlane v3, v0;
	_ =	sdelay $0x1  }
0xe0: {  	v3 =	vperm.xlane v3, v2;
	v4 =	vadd.s32 v1, v4;
	_ =	sdelay $0x1  }
0xe1: {  	v3 =	vadd.s32 v1, v3;
	_ =	sdelay $0x2  }
0xe2: {  	[tilespmem:s20], [sflag:$0x2] =	stream.indirect_vreg.gather [hbm4b:s0+s5], $0x80, v4, vm0, $0xb8;
	[tilespmem:$0x10800] =	vst v63  }
0xe3: {  	_ = 	snop  }
0xe4: {  	[tilespmem:s21], [sflag:$0x2] =	stream.indirect_vreg.gather [hbm4b:s0+s5], $0x80, v3, vm0, $0xb8;
	[tilespmem:$0x10800] =	vst v63  }
0xe5: {  	v3 =	vld [tilespmem:$0x70];
	_ =	sdelay $0x4  }
0xe6: {  	v63 =	vshll.u32 v3, $0x1  }
0xe7: {  	v3 =	vand.u32 $0x7, v3;
	v4 =	vand.u32 $0xFFFFFFF0, v63  }
0xe8: {  	v3 =	vor.u32 v3, v4  }
0xe9: {  	v4 =	vperm.xlane v3, v0;
	_ =	sdelay $0x1  }
0xea: {  	v3 =	vperm.xlane v3, v2;
	v4 =	vadd.s32 v1, v4;
	_ =	sdelay $0x1  }
0xeb: {  	v3 =	vadd.s32 v1, v3;
	_ =	sdelay $0x2  }
0xec: {  	[tilespmem:s22], [sflag:$0x2] =	stream.indirect_vreg.gather [hbm4b:s0+s5], $0x80, v4, vm0, $0xb8;
	[tilespmem:$0x10800] =	vst v63  }
0xed: {  	_ = 	snop  }
0xee: {  	[tilespmem:s23], [sflag:$0x2] =	stream.indirect_vreg.gather [hbm4b:s0+s5], $0x80, v3, vm0, $0xb8;
	[tilespmem:$0x10800] =	vst v63  }
0xef: {  	_ = 	snop  }
0xf0: {  	[tilespmem:s24], [sflag:$0x3] =	stream.indirect.gather [spmem:s1], $0x1, s5, s17, $0xb8;
	[tilespmem:$0x10800] =	vst v63  }
0xf1: {  	_ = 	snop  }
0xf2: {  	[tilespmem:s25], [sflag:$0x4] =	stream.indirect.gather [spmem:s3], $0x1, s5, s17, $0xb8;
	[tilespmem:$0x10800] =	vst v63  }
0xf3: {  	_ = 	snop  }
0xf4: {  	[tilespmem:s26], [sflag:$0x5] =	stream.indirect.gather [spmem:s4], $0x1, s5, s17, $0xb8;
	[tilespmem:$0x10800] =	vst v63  }
0xf5: {  	_ =	swait.ge [sflag:s28], $0x8000  }
0xf6: {  	[sflag:s28] =	ssyncset.done $0x0  }
0xf7: {  	[sflag:s28] =	ssyncadd.s32 $0xFFFF8000  }
0xf8: {  	_ =	swait.ge [sflag:s29], $0x8000  }
0xf9: {  	[sflag:s29] =	ssyncset.done $0x0  }
0xfa: {  	[sflag:s29] =	ssyncadd.s32 $0xFFFF8000  }
0xfb: {  	_ =	swait.ge [sflag:s30], $0x80  }
0xfc: {  	[sflag:s30] =	ssyncset.done $0x0  }
0xfd: {  	[sflag:s30] =	ssyncadd.s32 $0xFFFFFF80  }
0xfe: {  	_ =	swait.ge [sflag:s31], $0x80  }
0xff: {  	[sflag:s31] =	ssyncset.done $0x0  }
0x100: {  	[sflag:s31] =	ssyncadd.s32 $0xFFFFFF80  }
0x101: {  	_ =	swait.ge [sflag:s2], $0x80  }
0x102: {  	[sflag:s2] =	ssyncset.done $0x0  }
0x103: {  	[sflag:s2] =	ssyncadd.s32 $0xFFFFFF80  }
0x104: {  	[hbm4b:s11+s5] =	stream.linear.scatter [tilespmem:s17], [sflag:$0x6], $0x8000, $0x38;
	[tilespmem:$0x10800] =	vst v63  }
0x105: {  	_ =	swait.ge [sflag:s16], $0x8000  }
0x106: {  	[sflag:s16] =	ssyncset.done $0x0  }
0x107: {  	[sflag:s16] =	ssyncadd.s32 $0xFFFF8000  }
0x108: {  	[hbm4b:s12+s5] =	stream.linear.scatter [tilespmem:s18], [sflag:$0x6], $0x8000, $0x38;
	[tilespmem:$0x10800] =	vst v63  }
0x109: {  	_ =	swait.ge [sflag:s16], $0x8000  }
0x10a: {  	s9 =	rddreg [dreg:$0x8];
	[sflag:s16] =	ssyncset.done $0x0  }
0x10b: {  	[sflag:s16] =	ssyncadd.s32 $0xFFFF8000;
	s8 =	sadd.s32 s10, s9  }
0x10c: {  	[hbm4b:s8+s5] =	stream.linear.scatter [tilespmem:s24], [sflag:$0x6], $0x80, $0x38;
	[tilespmem:$0x10800] =	vst v63  }
0x10d: {  	_ =	swait.ge [sflag:s16], $0x80  }
0x10e: {  	s9 =	rddreg [dreg:$0x7];
	[sflag:s16] =	ssyncset.done $0x0  }
0x10f: {  	[sflag:s16] =	ssyncadd.s32 $0xFFFFFF80;
	s8 =	sadd.s32 s10, s9  }
0x110: {  	[hbm4b:s8+s5] =	stream.linear.scatter [tilespmem:s25], [sflag:$0x6], $0x80, $0x38;
	[tilespmem:$0x10800] =	vst v63  }
0x111: {  	_ =	swait.ge [sflag:s16], $0x80  }
0x112: {  	p1 =	sne.s32 s10, $0x1F0;
	s9 =	rddreg [dreg:$0x6];
	[sflag:s16] =	ssyncset.done $0x0  }
.Ltmp0:
0x113: {  	[sflag:s16] =	ssyncadd.s32 $0xFFFFFF80;
	s8 =	sadd.s32 s10, s9;
	(pc) =	sbr.rel @p1 .LBB2_2-.Ltmp0, $4  }
0x114: {  	[hbm4b:s8+s5] =	stream.linear.scatter [tilespmem:s26], [sflag:$0x6], $0x80, $0x38;
	[tilespmem:$0x10800] =	vst v63  }
0x115: {  	_ =	swait.ge [sflag:s16], $0x80  }
0x116: {  	s11 =	sadd.s32 $0x1000, s11;
	[sflag:s16] =	ssyncset.done $0x0  }
0x117: {  	s12 =	sadd.s32 $0x1000, s12;
	s10 =	sadd.s32 $0x10, s10;
	[sflag:s16] =	ssyncadd.s32 $0xFFFFFF80  }
0x118: {  	s8 =	sld [smem:$0x7F8];
	_ =	sdelay $0x1  }
0x119: {  	s7 =	sadd.s32 $0x1, s7  }
0x11a: {  	p1 =	sne.s32 s7, s8  }
.Ltmp1:
0x11b: {  	_ = 	snop;
	(pc) =	sbr.rel @p1 .LBB2_1-.Ltmp1, $1  }
0x11c: {  	_ =	sdelay $0x3  }
0x11d: {  	_ =	sfence.sel $0x180000  }
0x11e: {  	[bflag:$0x0] =	sbarrier.arrive $0xFFFF  }
0x11f: {  	_ =	strace $0x90000047  }
0x120: {  	[bflag:$0x2] =	sbarrier.arrive $0xFFFF  }
0x121: {  	s0 =	rddreg [dreg:$0x5]  }
0x122: {  	s0 =	sadd.s32 @!p0 $0x100000, s0  }
0x123: {  	[sflag:s0] =	ssyncadd.tile.s32 @!p0 $0x1;
	_ =	shalt  }
.Lfunc_end2:
_tile_overlayer_lowered:
.L_overlay_start_2:
0x124: {  	(tag) =	ssettag $0x2  }
0x125: {  	s0 =	rddreg [dreg:$0x0];
	s2 =	stileid.u32  }
0x126: {  	s1 =	rddreg [dreg:$0x1];
	p0 =	sne.s32 s2, $0x0  }
0x127: {  	s3 =	rddreg [dreg:$0x2];
	[bflag:$0x3] =	sbarrier.arrive $0xFFFF;
	s2 =	simm.s32 @!p0 $0x1C06  }
0x128: {  	[timem:s3], [sflag:s2] =	dma.local @!p0 [hbm:s0], s1  }
0x129: {  	s0 =	simm.s32 @!p0 $0x6  }
0x12a: {  	_ =	swait.ge @!p0 [sflag:s0], s1  }
0x12b: {  	s1 =	ssub.s32 @!p0 $0x0, s1;
	[sflag:s0] =	ssyncset.done @!p0 $0x0  }
0x12c: {  	[sflag:s0] =	ssyncadd.s32 @!p0 s1  }
0x12d: {  	[bflag:$0x3] =	sbarrier.arrive $0xFFFF  }
0x12e: {  	_ =	shalt  }

</sc_bundles>
